<compile_context>
chip_gen: v7x
topology: tpu7x:2x2x1
jax: 0.10.2.dev20260603
libtpu: 0.0.44.dev20260713+nightly
codegen_flags: <defaults>
</compile_context>

<pallas_src>
import functools

import jax
import jax.numpy as jnp
from jax import lax
from jax.experimental import pallas as pl
from jax.experimental.pallas import tpu as pltpu
from jax.experimental.pallas import tpu_sc as plsc

_NC = 2
_NS = 16
_NW = _NC * _NS

_RC = 4


@jax.jit
def _sc_gather(x, table):
    N, J = x.shape
    D = table.shape[1]
    C = _RC * J
    rows_per_w = N // _NW
    n_chunks = rows_per_w // _RC
    assert N % _NW == 0 and rows_per_w % _RC == 0 and n_chunks % 2 == 0
    pieces = []
    off = 0
    while off < J:
        n = min(128, J - off)
        pieces.append((off, n))
        off += n
    assert all(o % 8 == 0 and n % 8 == 0 for o, n in pieces)

    mesh = plsc.VectorSubcoreMesh(core_axis_name="c", subcore_axis_name="s")

    @functools.partial(
        pl.kernel,
        out_type=jax.ShapeDtypeStruct((N * J, 2 * D), jnp.float32),
        mesh=mesh,
        scratch_types=[
            pltpu.VMEM((2, _RC, J), jnp.int32),
            pltpu.VMEM((2, C, D), jnp.float32),
            pltpu.SemaphoreType.DMA((2,)),
            pltpu.SemaphoreType.DMA((2,)),
            pltpu.SemaphoreType.DMA((2,)),
        ],
        compiler_params=pltpu.CompilerParams(use_tc_tiling_on_sc=False),
    )
    def k(x_hbm, table_hbm, out_hbm, idx_v, rows_v, sem_i, sem_g, sem_s):
        wid = lax.axis_index("s") * _NC + lax.axis_index("c")
        row_base = wid * rows_per_w

        def idx_copy(step, b):
            return pltpu.make_async_copy(
                x_hbm.at[pl.ds(row_base + step * _RC, _RC)],
                idx_v.at[b], sem_i.at[b])

        def gather_copy(b, r, o, n):
            return pltpu.make_async_copy(
                table_hbm.at[idx_v.at[b, r, pl.ds(o, n)]],
                rows_v.at[b, pl.ds(r * J + o, n)], sem_g.at[b])

        def store_copy(step, b):
            return pltpu.make_async_copy(
                rows_v.at[b],
                out_hbm.at[pl.ds((row_base + step * _RC) * J, C),
                           pl.ds(0, D)],
                sem_s.at[b])

        def fire_gathers(b):
            for r in range(_RC):
                for o, n in pieces:
                    gather_copy(b, r, o, n).start()

        def wait_gathers(b):
            for r in range(_RC):
                for o, n in pieces:
                    gather_copy(b, r, o, n).wait()

        idx_copy(0, 0).start()
        idx_copy(1, 1).start()
        idx_copy(0, 0).wait()
        fire_gathers(0)

        def body(t, carry):
            g = t * 2
            for b in range(2):
                step = g + b
                nb = 1 - b

                @pl.when(step + 1 < n_chunks)
                def _():
                    idx_copy(step + 1, nb).wait()

                    @pl.when(step >= 1)
                    def _():
                        store_copy(step - 1, nb).wait()

                    fire_gathers(nb)

                wait_gathers(b)
                store_copy(step, b).start()

                @pl.when(step + 2 < n_chunks)
                def _():
                    idx_copy(step + 2, b).start()
            return carry

        lax.fori_loop(0, n_chunks // 2, body, 0)
        store_copy(n_chunks - 2, 0).wait()
        store_copy(n_chunks - 1, 1).wait()

    return k(x, table)


def kernel(x, table):
    out128 = _sc_gather(x.astype(jnp.int32), table)
    return out128[:, :64].reshape(x.shape + (table.shape[1],))

# --- scband reference (transcript-rebuilt; emitter-appended) ---
"""Pipeline reference for scband-token-embedding-37847251813044 (READ-ONLY COPY).

The authoritative reference and input builder live on the scoring server;
editing this copy changes nothing except your own understanding.
"""

import jax, jax.numpy as jnp
import numpy as np

D_MODEL = 64
NUM_TOKENS = 1000000

def setup_inputs(seed: int = 0) -> dict:
    key = jax.random.key(seed)
    k_idx, k_tab = jax.random.split(key)
    x = jax.random.randint(k_idx, (4096, 200), 0, NUM_TOKENS, dtype=jnp.int64 if jax.config.jax_enable_x64 else jnp.int32)
    table = jax.random.normal(k_tab, (NUM_TOKENS, D_MODEL), dtype=jnp.float32)
    return {"x": x, "table": table}

def reference(x, table):
    # torch.nn.Embedding forward: gather rows of the embedding table
    return jnp.take(table, x, axis=0)

if __name__ == "__main__":
    import jax
    _d = setup_inputs()
    print(jax.jit(kernel)(*tuple(_d.values())))

</pallas_src>

<mosaic_0001>
#map = affine_map<(d0, d1) -> (0, 0)>
module attributes {stable_mosaic.version = 14 : i64} {
  func.func @k(%arg0: i32, %arg1: i32, %arg2: memref<4096x200xi32, #tpu.memory_space<hbm>>, %arg3: memref<1000000x64xf32, #tpu.memory_space<hbm>>, %arg4: memref<819200x128xf32, #tpu.memory_space<hbm>>, %arg5: memref<2x4x200xi32, #tpu.memory_space<vmem>>, %arg6: memref<2x800x64xf32, #tpu.memory_space<vmem>>, %arg7: memref<2x!tpu.dma_semaphore, #tpu.memory_space<semaphore_mem>>, %arg8: memref<2x!tpu.dma_semaphore, #tpu.memory_space<semaphore_mem>>, %arg9: memref<2x!tpu.dma_semaphore, #tpu.memory_space<semaphore_mem>>) attributes {dimension_semantics = [#tpu.dimension_semantics<core_parallel>, #tpu.dimension_semantics<subcore_parallel>], iteration_bounds = array<i64: 2, 16>, scalar_prefetch = 0 : i64, scratch_operands = 5 : i64, tpu.core_type = #tpu.core_type<sc_vector_subcore>, window_params = [{transform_indices = #map}, {transform_indices = #map}, {transform_indices = #map}]} {
    %mul3A = arith.constant 2 : i32
    %mul3A_0 = arith.muli %arg1, %mul3A : i32
    %add3A = arith.addi %mul3A_0, %arg0 : i32
    %mul3A_1 = arith.constant 128 : i32
    %mul3A_2 = arith.muli %add3A, %mul3A_1 : i32
    %add3A_3 = arith.constant 0 : i32
    %add3A_4 = arith.addi %mul3A_2, %add3A_3 : i32
    %dma_start3A = arith.constant 0 : i32
    %dma_start3A_5 = arith.constant 0 : i32
    %dma_start3A_6 = arith.constant 0 : i32
    %dma_start3A_7 = arith.constant 0 : i32
    %dma_start3A_8 = tpu.memref_slice %arg5[%dma_start3A, %dma_start3A_6, %dma_start3A_7] : memref<2x4x200xi32, #tpu.memory_space<vmem>> -> memref<1x4x200xi32, #tpu.memory_space<vmem>>
    %dma_start3A_9 = tpu.memref_squeeze %dma_start3A_8 : memref<1x4x200xi32, #tpu.memory_space<vmem>> -> memref<4x200xi32, #tpu.memory_space<vmem>>
    %dma_start3A_10 = arith.constant 0 : i32
    %dma_start3A_11 = tpu.memref_slice %arg2[%add3A_4, %dma_start3A_10] : memref<4096x200xi32, #tpu.memory_space<hbm>> -> memref<4x200xi32, #tpu.memory_space<hbm>>
    %dma_start3A_12 = tpu.memref_slice %arg7[%dma_start3A_5] : memref<2x!tpu.dma_semaphore, #tpu.memory_space<semaphore_mem>> -> memref<1x!tpu.dma_semaphore, #tpu.memory_space<semaphore_mem>>
    %dma_start3A_13 = tpu.memref_squeeze %dma_start3A_12 : memref<1x!tpu.dma_semaphore, #tpu.memory_space<semaphore_mem>> -> memref<!tpu.dma_semaphore, #tpu.memory_space<semaphore_mem>>
    %dma_start3A_14 = arith.constant 0 : i32
    %dma_start3A_15 = arith.constant 0 : i32
    %dma_start3A_16 = tpu.memref_slice %arg5[%dma_start3A, %dma_start3A_14, %dma_start3A_15] : memref<2x4x200xi32, #tpu.memory_space<vmem>> -> memref<1x4x200xi32, #tpu.memory_space<vmem>>
    %dma_start3A_17 = tpu.memref_squeeze %dma_start3A_16 : memref<1x4x200xi32, #tpu.memory_space<vmem>> -> memref<4x200xi32, #tpu.memory_space<vmem>>
    %dma_start3A_18 = arith.constant 0 : i32
    %dma_start3A_19 = tpu.memref_slice %arg2[%add3A_4, %dma_start3A_18] : memref<4096x200xi32, #tpu.memory_space<hbm>> -> memref<4x200xi32, #tpu.memory_space<hbm>>
    tpu.enqueue_dma source(%dma_start3A_19 : memref<4x200xi32, #tpu.memory_space<hbm>>) target(%dma_start3A_17 : memref<4x200xi32, #tpu.memory_space<vmem>>) target_semaphore(%dma_start3A_13 : memref<!tpu.dma_semaphore, #tpu.memory_space<semaphore_mem>>)
    %add3A_20 = arith.constant 4 : i32
    %add3A_21 = arith.addi %mul3A_2, %add3A_20 : i32
    %dma_start3A_22 = arith.constant 1 : i32
    %dma_start3A_23 = arith.constant 1 : i32
    %dma_start3A_24 = arith.constant 0 : i32
    %dma_start3A_25 = arith.constant 0 : i32
    %dma_start3A_26 = tpu.memref_slice %arg5[%dma_start3A_22, %dma_start3A_24, %dma_start3A_25] : memref<2x4x200xi32, #tpu.memory_space<vmem>> -> memref<1x4x200xi32, #tpu.memory_space<vmem>>
    %dma_start3A_27 = tpu.memref_squeeze %dma_start3A_26 : memref<1x4x200xi32, #tpu.memory_space<vmem>> -> memref<4x200xi32, #tpu.memory_space<vmem>>
    %dma_start3A_28 = arith.constant 0 : i32
    %dma_start3A_29 = tpu.memref_slice %arg2[%add3A_21, %dma_start3A_28] : memref<4096x200xi32, #tpu.memory_space<hbm>> -> memref<4x200xi32, #tpu.memory_space<hbm>>
    %dma_start3A_30 = tpu.memref_slice %arg7[%dma_start3A_23] : memref<2x!tpu.dma_semaphore, #tpu.memory_space<semaphore_mem>> -> memref<1x!tpu.dma_semaphore, #tpu.memory_space<semaphore_mem>>
    %dma_start3A_31 = tpu.memref_squeeze %dma_start3A_30 : memref<1x!tpu.dma_semaphore, #tpu.memory_space<semaphore_mem>> -> memref<!tpu.dma_semaphore, #tpu.memory_space<semaphore_mem>>
    %dma_start3A_32 = arith.constant 0 : i32
    %dma_start3A_33 = arith.constant 0 : i32
    %dma_start3A_34 = tpu.memref_slice %arg5[%dma_start3A_22, %dma_start3A_32, %dma_start3A_33] : memref<2x4x200xi32, #tpu.memory_space<vmem>> -> memref<1x4x200xi32, #tpu.memory_space<vmem>>
    %dma_start3A_35 = tpu.memref_squeeze %dma_start3A_34 : memref<1x4x200xi32, #tpu.memory_space<vmem>> -> memref<4x200xi32, #tpu.memory_space<vmem>>
    %dma_start3A_36 = arith.constant 0 : i32
    %dma_start3A_37 = tpu.memref_slice %arg2[%add3A_21, %dma_start3A_36] : memref<4096x200xi32, #tpu.memory_space<hbm>> -> memref<4x200xi32, #tpu.memory_space<hbm>>
    tpu.enqueue_dma source(%dma_start3A_37 : memref<4x200xi32, #tpu.memory_space<hbm>>) target(%dma_start3A_35 : memref<4x200xi32, #tpu.memory_space<vmem>>) target_semaphore(%dma_start3A_31 : memref<!tpu.dma_semaphore, #tpu.memory_space<semaphore_mem>>)
    %add3A_38 = arith.constant 0 : i32
    %add3A_39 = arith.addi %mul3A_2, %add3A_38 : i32
    %dma_wait3A = arith.constant 0 : i32
    %dma_wait3A_40 = arith.constant 0 : i32
    %dma_wait3A_41 = arith.constant 0 : i32
    %dma_wait3A_42 = arith.constant 0 : i32
    %dma_wait3A_43 = tpu.memref_slice %arg5[%dma_wait3A, %dma_wait3A_41, %dma_wait3A_42] : memref<2x4x200xi32, #tpu.memory_space<vmem>> -> memref<1x4x200xi32, #tpu.memory_space<vmem>>
    %dma_wait3A_44 = tpu.memref_squeeze %dma_wait3A_43 : memref<1x4x200xi32, #tpu.memory_space<vmem>> -> memref<4x200xi32, #tpu.memory_space<vmem>>
    %dma_wait3A_45 = arith.constant 0 : i32
    %dma_wait3A_46 = tpu.memref_slice %arg2[%add3A_39, %dma_wait3A_45] : memref<4096x200xi32, #tpu.memory_space<hbm>> -> memref<4x200xi32, #tpu.memory_space<hbm>>
    %dma_wait3A_47 = tpu.memref_slice %arg7[%dma_wait3A_40] : memref<2x!tpu.dma_semaphore, #tpu.memory_space<semaphore_mem>> -> memref<1x!tpu.dma_semaphore, #tpu.memory_space<semaphore_mem>>
    %dma_wait3A_48 = tpu.memref_squeeze %dma_wait3A_47 : memref<1x!tpu.dma_semaphore, #tpu.memory_space<semaphore_mem>> -> memref<!tpu.dma_semaphore, #tpu.memory_space<semaphore_mem>>
    %dma_wait3A_49 = arith.constant 0 : i32
    %dma_wait3A_50 = arith.constant 0 : i32
    %dma_wait3A_51 = tpu.memref_slice %arg5[%dma_wait3A, %dma_wait3A_49, %dma_wait3A_50] : memref<2x4x200xi32, #tpu.memory_space<vmem>> -> memref<1x4x200xi32, #tpu.memory_space<vmem>>
    %dma_wait3A_52 = tpu.memref_squeeze %dma_wait3A_51 : memref<1x4x200xi32, #tpu.memory_space<vmem>> -> memref<4x200xi32, #tpu.memory_space<vmem>>
    %dma_wait3A_53 = arith.constant 0 : i32
    %dma_wait3A_54 = tpu.memref_slice %arg2[%add3A_39, %dma_wait3A_53] : memref<4096x200xi32, #tpu.memory_space<hbm>> -> memref<4x200xi32, #tpu.memory_space<hbm>>
    tpu.wait_dma2 semaphore(%dma_wait3A_48 : memref<!tpu.dma_semaphore, #tpu.memory_space<semaphore_mem>>) src(%dma_wait3A_54 : memref<4x200xi32, #tpu.memory_space<hbm>>) dst(%dma_wait3A_52 : memref<4x200xi32, #tpu.memory_space<vmem>>)
    %dma_start3A_55 = arith.constant 0 : i32
    %dma_start3A_56 = arith.constant 0 : i32
    %dma_start3A_57 = arith.constant 0 : i32
    %dma_start3A_58 = arith.constant 0 : i32
    %dma_start3A_59 = arith.constant 0 : i32
    %dma_start3A_60 = arith.constant 0 : i32
    %dma_start3A_61 = tpu.memref_slice %arg6[%dma_start3A_57, %dma_start3A_59, %dma_start3A_60] : memref<2x800x64xf32, #tpu.memory_space<vmem>> -> memref<1x128x64xf32, #tpu.memory_space<vmem>>
    %dma_start3A_62 = tpu.memref_squeeze %dma_start3A_61 : memref<1x128x64xf32, #tpu.memory_space<vmem>> -> memref<128x64xf32, #tpu.memory_space<vmem>>
    %dma_start3A_63 = arith.constant 0 : i32
    %dma_start3A_64 = tpu.memref_slice %arg5[%dma_start3A_55, %dma_start3A_56, %dma_start3A_63] : memref<2x4x200xi32, #tpu.memory_space<vmem>> -> memref<1x1x128xi32, #tpu.memory_space<vmem>>
    %dma_start3A_65 = tpu.memref_squeeze %dma_start3A_64 : memref<1x1x128xi32, #tpu.memory_space<vmem>> -> memref<128xi32, #tpu.memory_space<vmem>>
    %dma_start3A_66 = arith.constant 0 : i32
    %dma_start3A_67 = arith.constant 0 : i32
    %dma_start3A_68 = tpu.memref_slice %arg3[%dma_start3A_66, %dma_start3A_67] : memref<1000000x64xf32, #tpu.memory_space<hbm>> -> memref<1000000x64xf32, #tpu.memory_space<hbm>>
    %dma_start3A_69 = tpu.memref_slice %arg8[%dma_start3A_58] : memref<2x!tpu.dma_semaphore, #tpu.memory_space<semaphore_mem>> -> memref<1x!tpu.dma_semaphore, #tpu.memory_space<semaphore_mem>>
    %dma_start3A_70 = tpu.memref_squeeze %dma_start3A_69 : memref<1x!tpu.dma_semaphore, #tpu.memory_space<semaphore_mem>> -> memref<!tpu.dma_semaphore, #tpu.memory_space<semaphore_mem>>
    tpu.enqueue_indirect_dma source(%dma_start3A_68 : memref<1000000x64xf32, #tpu.memory_space<hbm>>) target(%dma_start3A_62 : memref<128x64xf32, #tpu.memory_space<vmem>>) offsets(%dma_start3A_65 : memref<128xi32, #tpu.memory_space<vmem>>) semaphore(%dma_start3A_70 : memref<!tpu.dma_semaphore, #tpu.memory_space<semaphore_mem>>)
    %dma_start3A_71 = arith.constant 0 : i32
    %dma_start3A_72 = arith.constant 0 : i32
    %dma_start3A_73 = arith.constant 0 : i32
    %dma_start3A_74 = arith.constant 0 : i32
    %dma_start3A_75 = arith.constant 128 : i32
    %dma_start3A_76 = arith.constant 0 : i32
    %dma_start3A_77 = tpu.memref_slice %arg6[%dma_start3A_73, %dma_start3A_75, %dma_start3A_76] : memref<2x800x64xf32, #tpu.memory_space<vmem>> -> memref<1x72x64xf32, #tpu.memory_space<vmem>>
    %dma_start3A_78 = tpu.memref_squeeze %dma_start3A_77 : memref<1x72x64xf32, #tpu.memory_space<vmem>> -> memref<72x64xf32, #tpu.memory_space<vmem>>
    %dma_start3A_79 = arith.constant 128 : i32
    %dma_start3A_80 = tpu.memref_slice %arg5[%dma_start3A_71, %dma_start3A_72, %dma_start3A_79] : memref<2x4x200xi32, #tpu.memory_space<vmem>> -> memref<1x1x72xi32, #tpu.memory_space<vmem>>
    %dma_start3A_81 = tpu.memref_squeeze %dma_start3A_80 : memref<1x1x72xi32, #tpu.memory_space<vmem>> -> memref<72xi32, #tpu.memory_space<vmem>>
    %dma_start3A_82 = arith.constant 0 : i32
    %dma_start3A_83 = arith.constant 0 : i32
    %dma_start3A_84 = tpu.memref_slice %arg3[%dma_start3A_82, %dma_start3A_83] : memref<1000000x64xf32, #tpu.memory_space<hbm>> -> memref<1000000x64xf32, #tpu.memory_space<hbm>>
    %dma_start3A_85 = tpu.memref_slice %arg8[%dma_start3A_74] : memref<2x!tpu.dma_semaphore, #tpu.memory_space<semaphore_mem>> -> memref<1x!tpu.dma_semaphore, #tpu.memory_space<semaphore_mem>>
    %dma_start3A_86 = tpu.memref_squeeze %dma_start3A_85 : memref<1x!tpu.dma_semaphore, #tpu.memory_space<semaphore_mem>> -> memref<!tpu.dma_semaphore, #tpu.memory_space<semaphore_mem>>
    tpu.enqueue_indirect_dma source(%dma_start3A_84 : memref<1000000x64xf32, #tpu.memory_space<hbm>>) target(%dma_start3A_78 : memref<72x64xf32, #tpu.memory_space<vmem>>) offsets(%dma_start3A_81 : memref<72xi32, #tpu.memory_space<vmem>>) semaphore(%dma_start3A_86 : memref<!tpu.dma_semaphore, #tpu.memory_space<semaphore_mem>>)
    %dma_start3A_87 = arith.constant 0 : i32
    %dma_start3A_88 = arith.constant 1 : i32
    %dma_start3A_89 = arith.constant 0 : i32
    %dma_start3A_90 = arith.constant 0 : i32
    %dma_start3A_91 = arith.constant 200 : i32
    %dma_start3A_92 = arith.constant 0 : i32
    %dma_start3A_93 = tpu.memref_slice %arg6[%dma_start3A_89, %dma_start3A_91, %dma_start3A_92] : memref<2x800x64xf32, #tpu.memory_space<vmem>> -> memref<1x128x64xf32, #tpu.memory_space<vmem>>
    %dma_start3A_94 = tpu.memref_squeeze %dma_start3A_93 : memref<1x128x64xf32, #tpu.memory_space<vmem>> -> memref<128x64xf32, #tpu.memory_space<vmem>>
    %dma_start3A_95 = arith.constant 0 : i32
    %dma_start3A_96 = tpu.memref_slice %arg5[%dma_start3A_87, %dma_start3A_88, %dma_start3A_95] : memref<2x4x200xi32, #tpu.memory_space<vmem>> -> memref<1x1x128xi32, #tpu.memory_space<vmem>>
    %dma_start3A_97 = tpu.memref_squeeze %dma_start3A_96 : memref<1x1x128xi32, #tpu.memory_space<vmem>> -> memref<128xi32, #tpu.memory_space<vmem>>
    %dma_start3A_98 = arith.constant 0 : i32
    %dma_start3A_99 = arith.constant 0 : i32
    %dma_start3A_100 = tpu.memref_slice %arg3[%dma_start3A_98, %dma_start3A_99] : memref<1000000x64xf32, #tpu.memory_space<hbm>> -> memref<1000000x64xf32, #tpu.memory_space<hbm>>
    %dma_start3A_101 = tpu.memref_slice %arg8[%dma_start3A_90] : memref<2x!tpu.dma_semaphore, #tpu.memory_space<semaphore_mem>> -> memref<1x!tpu.dma_semaphore, #tpu.memory_space<semaphore_mem>>
    %dma_start3A_102 = tpu.memref_squeeze %dma_start3A_101 : memref<1x!tpu.dma_semaphore, #tpu.memory_space<semaphore_mem>> -> memref<!tpu.dma_semaphore, #tpu.memory_space<semaphore_mem>>
    tpu.enqueue_indirect_dma source(%dma_start3A_100 : memref<1000000x64xf32, #tpu.memory_space<hbm>>) target(%dma_start3A_94 : memref<128x64xf32, #tpu.memory_space<vmem>>) offsets(%dma_start3A_97 : memref<128xi32, #tpu.memory_space<vmem>>) semaphore(%dma_start3A_102 : memref<!tpu.dma_semaphore, #tpu.memory_space<semaphore_mem>>)
    %dma_start3A_103 = arith.constant 0 : i32
    %dma_start3A_104 = arith.constant 1 : i32
    %dma_start3A_105 = arith.constant 0 : i32
    %dma_start3A_106 = arith.constant 0 : i32
    %dma_start3A_107 = arith.constant 328 : i32
    %dma_start3A_108 = arith.constant 0 : i32
    %dma_start3A_109 = tpu.memref_slice %arg6[%dma_start3A_105, %dma_start3A_107, %dma_start3A_108] : memref<2x800x64xf32, #tpu.memory_space<vmem>> -> memref<1x72x64xf32, #tpu.memory_space<vmem>>
    %dma_start3A_110 = tpu.memref_squeeze %dma_start3A_109 : memref<1x72x64xf32, #tpu.memory_space<vmem>> -> memref<72x64xf32, #tpu.memory_space<vmem>>
    %dma_start3A_111 = arith.constant 128 : i32
    %dma_start3A_112 = tpu.memref_slice %arg5[%dma_start3A_103, %dma_start3A_104, %dma_start3A_111] : memref<2x4x200xi32, #tpu.memory_space<vmem>> -> memref<1x1x72xi32, #tpu.memory_space<vmem>>
    %dma_start3A_113 = tpu.memref_squeeze %dma_start3A_112 : memref<1x1x72xi32, #tpu.memory_space<vmem>> -> memref<72xi32, #tpu.memory_space<vmem>>
    %dma_start3A_114 = arith.constant 0 : i32
    %dma_start3A_115 = arith.constant 0 : i32
    %dma_start3A_116 = tpu.memref_slice %arg3[%dma_start3A_114, %dma_start3A_115] : memref<1000000x64xf32, #tpu.memory_space<hbm>> -> memref<1000000x64xf32, #tpu.memory_space<hbm>>
    %dma_start3A_117 = tpu.memref_slice %arg8[%dma_start3A_106] : memref<2x!tpu.dma_semaphore, #tpu.memory_space<semaphore_mem>> -> memref<1x!tpu.dma_semaphore, #tpu.memory_space<semaphore_mem>>
    %dma_start3A_118 = tpu.memref_squeeze %dma_start3A_117 : memref<1x!tpu.dma_semaphore, #tpu.memory_space<semaphore_mem>> -> memref<!tpu.dma_semaphore, #tpu.memory_space<semaphore_mem>>
    tpu.enqueue_indirect_dma source(%dma_start3A_116 : memref<1000000x64xf32, #tpu.memory_space<hbm>>) target(%dma_start3A_110 : memref<72x64xf32, #tpu.memory_space<vmem>>) offsets(%dma_start3A_113 : memref<72xi32, #tpu.memory_space<vmem>>) semaphore(%dma_start3A_118 : memref<!tpu.dma_semaphore, #tpu.memory_space<semaphore_mem>>)
    %dma_start3A_119 = arith.constant 0 : i32
    %dma_start3A_120 = arith.constant 2 : i32
    %dma_start3A_121 = arith.constant 0 : i32
    %dma_start3A_122 = arith.constant 0 : i32
    %dma_start3A_123 = arith.constant 400 : i32
    %dma_start3A_124 = arith.constant 0 : i32
    %dma_start3A_125 = tpu.memref_slice %arg6[%dma_start3A_121, %dma_start3A_123, %dma_start3A_124] : memref<2x800x64xf32, #tpu.memory_space<vmem>> -> memref<1x128x64xf32, #tpu.memory_space<vmem>>
    %dma_start3A_126 = tpu.memref_squeeze %dma_start3A_125 : memref<1x128x64xf32, #tpu.memory_space<vmem>> -> memref<128x64xf32, #tpu.memory_space<vmem>>
    %dma_start3A_127 = arith.constant 0 : i32
    %dma_start3A_128 = tpu.memref_slice %arg5[%dma_start3A_119, %dma_start3A_120, %dma_start3A_127] : memref<2x4x200xi32, #tpu.memory_space<vmem>> -> memref<1x1x128xi32, #tpu.memory_space<vmem>>
    %dma_start3A_129 = tpu.memref_squeeze %dma_start3A_128 : memref<1x1x128xi32, #tpu.memory_space<vmem>> -> memref<128xi32, #tpu.memory_space<vmem>>
    %dma_start3A_130 = arith.constant 0 : i32
    %dma_start3A_131 = arith.constant 0 : i32
    %dma_start3A_132 = tpu.memref_slice %arg3[%dma_start3A_130, %dma_start3A_131] : memref<1000000x64xf32, #tpu.memory_space<hbm>> -> memref<1000000x64xf32, #tpu.memory_space<hbm>>
    %dma_start3A_133 = tpu.memref_slice %arg8[%dma_start3A_122] : memref<2x!tpu.dma_semaphore, #tpu.memory_space<semaphore_mem>> -> memref<1x!tpu.dma_semaphore, #tpu.memory_space<semaphore_mem>>
    %dma_start3A_134 = tpu.memref_squeeze %dma_start3A_133 : memref<1x!tpu.dma_semaphore, #tpu.memory_space<semaphore_mem>> -> memref<!tpu.dma_semaphore, #tpu.memory_space<semaphore_mem>>
    tpu.enqueue_indirect_dma source(%dma_start3A_132 : memref<1000000x64xf32, #tpu.memory_space<hbm>>) target(%dma_start3A_126 : memref<128x64xf32, #tpu.memory_space<vmem>>) offsets(%dma_start3A_129 : memref<128xi32, #tpu.memory_space<vmem>>) semaphore(%dma_start3A_134 : memref<!tpu.dma_semaphore, #tpu.memory_space<semaphore_mem>>)
    %dma_start3A_135 = arith.constant 0 : i32
    %dma_start3A_136 = arith.constant 2 : i32
    %dma_start3A_137 = arith.constant 0 : i32
    %dma_start3A_138 = arith.constant 0 : i32
    %dma_start3A_139 = arith.constant 528 : i32
    %dma_start3A_140 = arith.constant 0 : i32
    %dma_start3A_141 = tpu.memref_slice %arg6[%dma_start3A_137, %dma_start3A_139, %dma_start3A_140] : memref<2x800x64xf32, #tpu.memory_space<vmem>> -> memref<1x72x64xf32, #tpu.memory_space<vmem>>
    %dma_start3A_142 = tpu.memref_squeeze %dma_start3A_141 : memref<1x72x64xf32, #tpu.memory_space<vmem>> -> memref<72x64xf32, #tpu.memory_space<vmem>>
    %dma_start3A_143 = arith.constant 128 : i32
    %dma_start3A_144 = tpu.memref_slice %arg5[%dma_start3A_135, %dma_start3A_136, %dma_start3A_143] : memref<2x4x200xi32, #tpu.memory_space<vmem>> -> memref<1x1x72xi32, #tpu.memory_space<vmem>>
    %dma_start3A_145 = tpu.memref_squeeze %dma_start3A_144 : memref<1x1x72xi32, #tpu.memory_space<vmem>> -> memref<72xi32, #tpu.memory_space<vmem>>
    %dma_start3A_146 = arith.constant 0 : i32
    %dma_start3A_147 = arith.constant 0 : i32
    %dma_start3A_148 = tpu.memref_slice %arg3[%dma_start3A_146, %dma_start3A_147] : memref<1000000x64xf32, #tpu.memory_space<hbm>> -> memref<1000000x64xf32, #tpu.memory_space<hbm>>
    %dma_start3A_149 = tpu.memref_slice %arg8[%dma_start3A_138] : memref<2x!tpu.dma_semaphore, #tpu.memory_space<semaphore_mem>> -> memref<1x!tpu.dma_semaphore, #tpu.memory_space<semaphore_mem>>
    %dma_start3A_150 = tpu.memref_squeeze %dma_start3A_149 : memref<1x!tpu.dma_semaphore, #tpu.memory_space<semaphore_mem>> -> memref<!tpu.dma_semaphore, #tpu.memory_space<semaphore_mem>>
    tpu.enqueue_indirect_dma source(%dma_start3A_148 : memref<1000000x64xf32, #tpu.memory_space<hbm>>) target(%dma_start3A_142 : memref<72x64xf32, #tpu.memory_space<vmem>>) offsets(%dma_start3A_145 : memref<72xi32, #tpu.memory_space<vmem>>) semaphore(%dma_start3A_150 : memref<!tpu.dma_semaphore, #tpu.memory_space<semaphore_mem>>)
    %dma_start3A_151 = arith.constant 0 : i32
    %dma_start3A_152 = arith.constant 3 : i32
    %dma_start3A_153 = arith.constant 0 : i32
    %dma_start3A_154 = arith.constant 0 : i32
    %dma_start3A_155 = arith.constant 600 : i32
    %dma_start3A_156 = arith.constant 0 : i32
    %dma_start3A_157 = tpu.memref_slice %arg6[%dma_start3A_153, %dma_start3A_155, %dma_start3A_156] : memref<2x800x64xf32, #tpu.memory_space<vmem>> -> memref<1x128x64xf32, #tpu.memory_space<vmem>>
    %dma_start3A_158 = tpu.memref_squeeze %dma_start3A_157 : memref<1x128x64xf32, #tpu.memory_space<vmem>> -> memref<128x64xf32, #tpu.memory_space<vmem>>
    %dma_start3A_159 = arith.constant 0 : i32
    %dma_start3A_160 = tpu.memref_slice %arg5[%dma_start3A_151, %dma_start3A_152, %dma_start3A_159] : memref<2x4x200xi32, #tpu.memory_space<vmem>> -> memref<1x1x128xi32, #tpu.memory_space<vmem>>
    %dma_start3A_161 = tpu.memref_squeeze %dma_start3A_160 : memref<1x1x128xi32, #tpu.memory_space<vmem>> -> memref<128xi32, #tpu.memory_space<vmem>>
    %dma_start3A_162 = arith.constant 0 : i32
    %dma_start3A_163 = arith.constant 0 : i32
    %dma_start3A_164 = tpu.memref_slice %arg3[%dma_start3A_162, %dma_start3A_163] : memref<1000000x64xf32, #tpu.memory_space<hbm>> -> memref<1000000x64xf32, #tpu.memory_space<hbm>>
    %dma_start3A_165 = tpu.memref_slice %arg8[%dma_start3A_154] : memref<2x!tpu.dma_semaphore, #tpu.memory_space<semaphore_mem>> -> memref<1x!tpu.dma_semaphore, #tpu.memory_space<semaphore_mem>>
    %dma_start3A_166 = tpu.memref_squeeze %dma_start3A_165 : memref<1x!tpu.dma_semaphore, #tpu.memory_space<semaphore_mem>> -> memref<!tpu.dma_semaphore, #tpu.memory_space<semaphore_mem>>
    tpu.enqueue_indirect_dma source(%dma_start3A_164 : memref<1000000x64xf32, #tpu.memory_space<hbm>>) target(%dma_start3A_158 : memref<128x64xf32, #tpu.memory_space<vmem>>) offsets(%dma_start3A_161 : memref<128xi32, #tpu.memory_space<vmem>>) semaphore(%dma_start3A_166 : memref<!tpu.dma_semaphore, #tpu.memory_space<semaphore_mem>>)
    %dma_start3A_167 = arith.constant 0 : i32
    %dma_start3A_168 = arith.constant 3 : i32
    %dma_start3A_169 = arith.constant 0 : i32
    %dma_start3A_170 = arith.constant 0 : i32
    %dma_start3A_171 = arith.constant 728 : i32
    %dma_start3A_172 = arith.constant 0 : i32
    %dma_start3A_173 = tpu.memref_slice %arg6[%dma_start3A_169, %dma_start3A_171, %dma_start3A_172] : memref<2x800x64xf32, #tpu.memory_space<vmem>> -> memref<1x72x64xf32, #tpu.memory_space<vmem>>
    %dma_start3A_174 = tpu.memref_squeeze %dma_start3A_173 : memref<1x72x64xf32, #tpu.memory_space<vmem>> -> memref<72x64xf32, #tpu.memory_space<vmem>>
    %dma_start3A_175 = arith.constant 128 : i32
    %dma_start3A_176 = tpu.memref_slice %arg5[%dma_start3A_167, %dma_start3A_168, %dma_start3A_175] : memref<2x4x200xi32, #tpu.memory_space<vmem>> -> memref<1x1x72xi32, #tpu.memory_space<vmem>>
    %dma_start3A_177 = tpu.memref_squeeze %dma_start3A_176 : memref<1x1x72xi32, #tpu.memory_space<vmem>> -> memref<72xi32, #tpu.memory_space<vmem>>
    %dma_start3A_178 = arith.constant 0 : i32
    %dma_start3A_179 = arith.constant 0 : i32
    %dma_start3A_180 = tpu.memref_slice %arg3[%dma_start3A_178, %dma_start3A_179] : memref<1000000x64xf32, #tpu.memory_space<hbm>> -> memref<1000000x64xf32, #tpu.memory_space<hbm>>
    %dma_start3A_181 = tpu.memref_slice %arg8[%dma_start3A_170] : memref<2x!tpu.dma_semaphore, #tpu.memory_space<semaphore_mem>> -> memref<1x!tpu.dma_semaphore, #tpu.memory_space<semaphore_mem>>
    %dma_start3A_182 = tpu.memref_squeeze %dma_start3A_181 : memref<1x!tpu.dma_semaphore, #tpu.memory_space<semaphore_mem>> -> memref<!tpu.dma_semaphore, #tpu.memory_space<semaphore_mem>>
    tpu.enqueue_indirect_dma source(%dma_start3A_180 : memref<1000000x64xf32, #tpu.memory_space<hbm>>) target(%dma_start3A_174 : memref<72x64xf32, #tpu.memory_space<vmem>>) offsets(%dma_start3A_177 : memref<72xi32, #tpu.memory_space<vmem>>) semaphore(%dma_start3A_182 : memref<!tpu.dma_semaphore, #tpu.memory_space<semaphore_mem>>)
    %scan3A = arith.constant 0 : i32
    %scan3A_183 = arith.constant 0 : i32
    %scan3A_184 = arith.constant 16 : i32
    %scan3A_185 = arith.addi %scan3A_183, %scan3A_184 : i32
    %scan3A_186 = arith.constant 1 : i32
    scf.for %scan3A_228 = %scan3A_183 to %scan3A_185 step %scan3A_186  : i32 {
      %mul3A_229 = arith.constant 2 : i32
      %mul3A_230 = arith.muli %scan3A_228, %mul3A_229 : i32
      %add3A_231 = arith.constant 0 : i32
      %add3A_232 = arith.addi %mul3A_230, %add3A_231 : i32
      %add3A_233 = arith.constant 1 : i32
      %add3A_234 = arith.addi %add3A_232, %add3A_233 : i32
      %lt3A = arith.constant 32 : i32
      %lt3A_235 = arith.cmpi slt, %add3A_234, %lt3A : i32
      %convert_element_type3A = arith.extui %lt3A_235 : i1 to i32
      %cond3A = arith.constant 0 : i32
      %cond3A_236 = arith.cmpi ne, %convert_element_type3A, %cond3A : i32
      scf.if %cond3A_236 {
        %add3A_558 = arith.constant 1 : i32
        %add3A_559 = arith.addi %add3A_232, %add3A_558 : i32
        %mul3A_560 = arith.constant 4 : i32
        %mul3A_561 = arith.muli %add3A_559, %mul3A_560 : i32
        %add3A_562 = arith.addi %mul3A_2, %mul3A_561 : i32
        %dma_wait3A_563 = arith.constant 1 : i32
        %dma_wait3A_564 = arith.constant 1 : i32
        %dma_wait3A_565 = arith.constant 0 : i32
        %dma_wait3A_566 = arith.constant 0 : i32
        %dma_wait3A_567 = tpu.memref_slice %arg5[%dma_wait3A_563, %dma_wait3A_565, %dma_wait3A_566] : memref<2x4x200xi32, #tpu.memory_space<vmem>> -> memref<1x4x200xi32, #tpu.memory_space<vmem>>
        %dma_wait3A_568 = tpu.memref_squeeze %dma_wait3A_567 : memref<1x4x200xi32, #tpu.memory_space<vmem>> -> memref<4x200xi32, #tpu.memory_space<vmem>>
        %dma_wait3A_569 = arith.constant 0 : i32
        %dma_wait3A_570 = tpu.memref_slice %arg2[%add3A_562, %dma_wait3A_569] : memref<4096x200xi32, #tpu.memory_space<hbm>> -> memref<4x200xi32, #tpu.memory_space<hbm>>
        %dma_wait3A_571 = tpu.memref_slice %arg7[%dma_wait3A_564] : memref<2x!tpu.dma_semaphore, #tpu.memory_space<semaphore_mem>> -> memref<1x!tpu.dma_semaphore, #tpu.memory_space<semaphore_mem>>
        %dma_wait3A_572 = tpu.memref_squeeze %dma_wait3A_571 : memref<1x!tpu.dma_semaphore, #tpu.memory_space<semaphore_mem>> -> memref<!tpu.dma_semaphore, #tpu.memory_space<semaphore_mem>>
        %dma_wait3A_573 = arith.constant 0 : i32
        %dma_wait3A_574 = arith.constant 0 : i32
        %dma_wait3A_575 = tpu.memref_slice %arg5[%dma_wait3A_563, %dma_wait3A_573, %dma_wait3A_574] : memref<2x4x200xi32, #tpu.memory_space<vmem>> -> memref<1x4x200xi32, #tpu.memory_space<vmem>>
        %dma_wait3A_576 = tpu.memref_squeeze %dma_wait3A_575 : memref<1x4x200xi32, #tpu.memory_space<vmem>> -> memref<4x200xi32, #tpu.memory_space<vmem>>
        %dma_wait3A_577 = arith.constant 0 : i32
        %dma_wait3A_578 = tpu.memref_slice %arg2[%add3A_562, %dma_wait3A_577] : memref<4096x200xi32, #tpu.memory_space<hbm>> -> memref<4x200xi32, #tpu.memory_space<hbm>>
        tpu.wait_dma2 semaphore(%dma_wait3A_572 : memref<!tpu.dma_semaphore, #tpu.memory_space<semaphore_mem>>) src(%dma_wait3A_578 : memref<4x200xi32, #tpu.memory_space<hbm>>) dst(%dma_wait3A_576 : memref<4x200xi32, #tpu.memory_space<vmem>>)
        %ge3A = arith.constant 1 : i32
        %ge3A_579 = arith.cmpi sge, %add3A_232, %ge3A : i32
        %convert_element_type3A_580 = arith.extui %ge3A_579 : i1 to i32
        %cond3A_581 = arith.constant 0 : i32
        %cond3A_582 = arith.cmpi ne, %convert_element_type3A_580, %cond3A_581 : i32
        scf.if %cond3A_582 {
          %sub3A = arith.constant 1 : i32
          %sub3A_711 = arith.subi %add3A_232, %sub3A : i32
          %mul3A_712 = arith.constant 4 : i32
          %mul3A_713 = arith.muli %sub3A_711, %mul3A_712 : i32
          %add3A_714 = arith.addi %mul3A_2, %mul3A_713 : i32
          %mul3A_715 = arith.constant 200 : i32
          %mul3A_716 = arith.muli %add3A_714, %mul3A_715 : i32
          %dma_wait3A_717 = arith.constant 1 : i32
          %dma_wait3A_718 = arith.constant 1 : i32
          %dma_wait3A_719 = arith.constant 0 : i32
          %dma_wait3A_720 = arith.constant 0 : i32
          %dma_wait3A_721 = tpu.memref_slice %arg6[%dma_wait3A_717, %dma_wait3A_719, %dma_wait3A_720] : memref<2x800x64xf32, #tpu.memory_space<vmem>> -> memref<1x800x64xf32, #tpu.memory_space<vmem>>
          %dma_wait3A_722 = tpu.memref_squeeze %dma_wait3A_721 : memref<1x800x64xf32, #tpu.memory_space<vmem>> -> memref<800x64xf32, #tpu.memory_space<vmem>>
          %dma_wait3A_723 = arith.constant 0 : i32
          %dma_wait3A_724 = tpu.memref_slice %arg4[%mul3A_716, %dma_wait3A_723] : memref<819200x128xf32, #tpu.memory_space<hbm>> -> memref<800x64xf32, #tpu.memory_space<hbm>>
          %dma_wait3A_725 = tpu.memref_slice %arg9[%dma_wait3A_718] : memref<2x!tpu.dma_semaphore, #tpu.memory_space<semaphore_mem>> -> memref<1x!tpu.dma_semaphore, #tpu.memory_space<semaphore_mem>>
          %dma_wait3A_726 = tpu.memref_squeeze %dma_wait3A_725 : memref<1x!tpu.dma_semaphore, #tpu.memory_space<semaphore_mem>> -> memref<!tpu.dma_semaphore, #tpu.memory_space<semaphore_mem>>
          %dma_wait3A_727 = arith.constant 0 : i32
          %dma_wait3A_728 = tpu.memref_slice %arg4[%mul3A_716, %dma_wait3A_727] : memref<819200x128xf32, #tpu.memory_space<hbm>> -> memref<800x64xf32, #tpu.memory_space<hbm>>
          %dma_wait3A_729 = arith.constant 0 : i32
          %dma_wait3A_730 = arith.constant 0 : i32
          %dma_wait3A_731 = tpu.memref_slice %arg6[%dma_wait3A_717, %dma_wait3A_729, %dma_wait3A_730] : memref<2x800x64xf32, #tpu.memory_space<vmem>> -> memref<1x800x64xf32, #tpu.memory_space<vmem>>
          %dma_wait3A_732 = tpu.memref_squeeze %dma_wait3A_731 : memref<1x800x64xf32, #tpu.memory_space<vmem>> -> memref<800x64xf32, #tpu.memory_space<vmem>>
          tpu.wait_dma2 semaphore(%dma_wait3A_726 : memref<!tpu.dma_semaphore, #tpu.memory_space<semaphore_mem>>) src(%dma_wait3A_732 : memref<800x64xf32, #tpu.memory_space<vmem>>) dst(%dma_wait3A_728 : memref<800x64xf32, #tpu.memory_space<hbm>>)
        } else {
        }
        %dma_start3A_583 = arith.constant 1 : i32
        %dma_start3A_584 = arith.constant 0 : i32
        %dma_start3A_585 = arith.constant 1 : i32
        %dma_start3A_586 = arith.constant 1 : i32
        %dma_start3A_587 = arith.constant 0 : i32
        %dma_start3A_588 = arith.constant 0 : i32
        %dma_start3A_589 = tpu.memref_slice %arg6[%dma_start3A_585, %dma_start3A_587, %dma_start3A_588] : memref<2x800x64xf32, #tpu.memory_space<vmem>> -> memref<1x128x64xf32, #tpu.memory_space<vmem>>
        %dma_start3A_590 = tpu.memref_squeeze %dma_start3A_589 : memref<1x128x64xf32, #tpu.memory_space<vmem>> -> memref<128x64xf32, #tpu.memory_space<vmem>>
        %dma_start3A_591 = arith.constant 0 : i32
        %dma_start3A_592 = tpu.memref_slice %arg5[%dma_start3A_583, %dma_start3A_584, %dma_start3A_591] : memref<2x4x200xi32, #tpu.memory_space<vmem>> -> memref<1x1x128xi32, #tpu.memory_space<vmem>>
        %dma_start3A_593 = tpu.memref_squeeze %dma_start3A_592 : memref<1x1x128xi32, #tpu.memory_space<vmem>> -> memref<128xi32, #tpu.memory_space<vmem>>
        %dma_start3A_594 = arith.constant 0 : i32
        %dma_start3A_595 = arith.constant 0 : i32
        %dma_start3A_596 = tpu.memref_slice %arg3[%dma_start3A_594, %dma_start3A_595] : memref<1000000x64xf32, #tpu.memory_space<hbm>> -> memref<1000000x64xf32, #tpu.memory_space<hbm>>
        %dma_start3A_597 = tpu.memref_slice %arg8[%dma_start3A_586] : memref<2x!tpu.dma_semaphore, #tpu.memory_space<semaphore_mem>> -> memref<1x!tpu.dma_semaphore, #tpu.memory_space<semaphore_mem>>
        %dma_start3A_598 = tpu.memref_squeeze %dma_start3A_597 : memref<1x!tpu.dma_semaphore, #tpu.memory_space<semaphore_mem>> -> memref<!tpu.dma_semaphore, #tpu.memory_space<semaphore_mem>>
        tpu.enqueue_indirect_dma source(%dma_start3A_596 : memref<1000000x64xf32, #tpu.memory_space<hbm>>) target(%dma_start3A_590 : memref<128x64xf32, #tpu.memory_space<vmem>>) offsets(%dma_start3A_593 : memref<128xi32, #tpu.memory_space<vmem>>) semaphore(%dma_start3A_598 : memref<!tpu.dma_semaphore, #tpu.memory_space<semaphore_mem>>)
        %dma_start3A_599 = arith.constant 1 : i32
        %dma_start3A_600 = arith.constant 0 : i32
        %dma_start3A_601 = arith.constant 1 : i32
        %dma_start3A_602 = arith.constant 1 : i32
        %dma_start3A_603 = arith.constant 128 : i32
        %dma_start3A_604 = arith.constant 0 : i32
        %dma_start3A_605 = tpu.memref_slice %arg6[%dma_start3A_601, %dma_start3A_603, %dma_start3A_604] : memref<2x800x64xf32, #tpu.memory_space<vmem>> -> memref<1x72x64xf32, #tpu.memory_space<vmem>>
        %dma_start3A_606 = tpu.memref_squeeze %dma_start3A_605 : memref<1x72x64xf32, #tpu.memory_space<vmem>> -> memref<72x64xf32, #tpu.memory_space<vmem>>
        %dma_start3A_607 = arith.constant 128 : i32
        %dma_start3A_608 = tpu.memref_slice %arg5[%dma_start3A_599, %dma_start3A_600, %dma_start3A_607] : memref<2x4x200xi32, #tpu.memory_space<vmem>> -> memref<1x1x72xi32, #tpu.memory_space<vmem>>
        %dma_start3A_609 = tpu.memref_squeeze %dma_start3A_608 : memref<1x1x72xi32, #tpu.memory_space<vmem>> -> memref<72xi32, #tpu.memory_space<vmem>>
        %dma_start3A_610 = arith.constant 0 : i32
        %dma_start3A_611 = arith.constant 0 : i32
        %dma_start3A_612 = tpu.memref_slice %arg3[%dma_start3A_610, %dma_start3A_611] : memref<1000000x64xf32, #tpu.memory_space<hbm>> -> memref<1000000x64xf32, #tpu.memory_space<hbm>>
        %dma_start3A_613 = tpu.memref_slice %arg8[%dma_start3A_602] : memref<2x!tpu.dma_semaphore, #tpu.memory_space<semaphore_mem>> -> memref<1x!tpu.dma_semaphore, #tpu.memory_space<semaphore_mem>>
        %dma_start3A_614 = tpu.memref_squeeze %dma_start3A_613 : memref<1x!tpu.dma_semaphore, #tpu.memory_space<semaphore_mem>> -> memref<!tpu.dma_semaphore, #tpu.memory_space<semaphore_mem>>
        tpu.enqueue_indirect_dma source(%dma_start3A_612 : memref<1000000x64xf32, #tpu.memory_space<hbm>>) target(%dma_start3A_606 : memref<72x64xf32, #tpu.memory_space<vmem>>) offsets(%dma_start3A_609 : memref<72xi32, #tpu.memory_space<vmem>>) semaphore(%dma_start3A_614 : memref<!tpu.dma_semaphore, #tpu.memory_space<semaphore_mem>>)
        %dma_start3A_615 = arith.constant 1 : i32
        %dma_start3A_616 = arith.constant 1 : i32
        %dma_start3A_617 = arith.constant 1 : i32
        %dma_start3A_618 = arith.constant 1 : i32
        %dma_start3A_619 = arith.constant 200 : i32
        %dma_start3A_620 = arith.constant 0 : i32
        %dma_start3A_621 = tpu.memref_slice %arg6[%dma_start3A_617, %dma_start3A_619, %dma_start3A_620] : memref<2x800x64xf32, #tpu.memory_space<vmem>> -> memref<1x128x64xf32, #tpu.memory_space<vmem>>
        %dma_start3A_622 = tpu.memref_squeeze %dma_start3A_621 : memref<1x128x64xf32, #tpu.memory_space<vmem>> -> memref<128x64xf32, #tpu.memory_space<vmem>>
        %dma_start3A_623 = arith.constant 0 : i32
        %dma_start3A_624 = tpu.memref_slice %arg5[%dma_start3A_615, %dma_start3A_616, %dma_start3A_623] : memref<2x4x200xi32, #tpu.memory_space<vmem>> -> memref<1x1x128xi32, #tpu.memory_space<vmem>>
        %dma_start3A_625 = tpu.memref_squeeze %dma_start3A_624 : memref<1x1x128xi32, #tpu.memory_space<vmem>> -> memref<128xi32, #tpu.memory_space<vmem>>
        %dma_start3A_626 = arith.constant 0 : i32
        %dma_start3A_627 = arith.constant 0 : i32
        %dma_start3A_628 = tpu.memref_slice %arg3[%dma_start3A_626, %dma_start3A_627] : memref<1000000x64xf32, #tpu.memory_space<hbm>> -> memref<1000000x64xf32, #tpu.memory_space<hbm>>
        %dma_start3A_629 = tpu.memref_slice %arg8[%dma_start3A_618] : memref<2x!tpu.dma_semaphore, #tpu.memory_space<semaphore_mem>> -> memref<1x!tpu.dma_semaphore, #tpu.memory_space<semaphore_mem>>
        %dma_start3A_630 = tpu.memref_squeeze %dma_start3A_629 : memref<1x!tpu.dma_semaphore, #tpu.memory_space<semaphore_mem>> -> memref<!tpu.dma_semaphore, #tpu.memory_space<semaphore_mem>>
        tpu.enqueue_indirect_dma source(%dma_start3A_628 : memref<1000000x64xf32, #tpu.memory_space<hbm>>) target(%dma_start3A_622 : memref<128x64xf32, #tpu.memory_space<vmem>>) offsets(%dma_start3A_625 : memref<128xi32, #tpu.memory_space<vmem>>) semaphore(%dma_start3A_630 : memref<!tpu.dma_semaphore, #tpu.memory_space<semaphore_mem>>)
        %dma_start3A_631 = arith.constant 1 : i32
        %dma_start3A_632 = arith.constant 1 : i32
        %dma_start3A_633 = arith.constant 1 : i32
        %dma_start3A_634 = arith.constant 1 : i32
        %dma_start3A_635 = arith.constant 328 : i32
        %dma_start3A_636 = arith.constant 0 : i32
        %dma_start3A_637 = tpu.memref_slice %arg6[%dma_start3A_633, %dma_start3A_635, %dma_start3A_636] : memref<2x800x64xf32, #tpu.memory_space<vmem>> -> memref<1x72x64xf32, #tpu.memory_space<vmem>>
        %dma_start3A_638 = tpu.memref_squeeze %dma_start3A_637 : memref<1x72x64xf32, #tpu.memory_space<vmem>> -> memref<72x64xf32, #tpu.memory_space<vmem>>
        %dma_start3A_639 = arith.constant 128 : i32
        %dma_start3A_640 = tpu.memref_slice %arg5[%dma_start3A_631, %dma_start3A_632, %dma_start3A_639] : memref<2x4x200xi32, #tpu.memory_space<vmem>> -> memref<1x1x72xi32, #tpu.memory_space<vmem>>
        %dma_start3A_641 = tpu.memref_squeeze %dma_start3A_640 : memref<1x1x72xi32, #tpu.memory_space<vmem>> -> memref<72xi32, #tpu.memory_space<vmem>>
        %dma_start3A_642 = arith.constant 0 : i32
        %dma_start3A_643 = arith.constant 0 : i32
        %dma_start3A_644 = tpu.memref_slice %arg3[%dma_start3A_642, %dma_start3A_643] : memref<1000000x64xf32, #tpu.memory_space<hbm>> -> memref<1000000x64xf32, #tpu.memory_space<hbm>>
        %dma_start3A_645 = tpu.memref_slice %arg8[%dma_start3A_634] : memref<2x!tpu.dma_semaphore, #tpu.memory_space<semaphore_mem>> -> memref<1x!tpu.dma_semaphore, #tpu.memory_space<semaphore_mem>>
        %dma_start3A_646 = tpu.memref_squeeze %dma_start3A_645 : memref<1x!tpu.dma_semaphore, #tpu.memory_space<semaphore_mem>> -> memref<!tpu.dma_semaphore, #tpu.memory_space<semaphore_mem>>
        tpu.enqueue_indirect_dma source(%dma_start3A_644 : memref<1000000x64xf32, #tpu.memory_space<hbm>>) target(%dma_start3A_638 : memref<72x64xf32, #tpu.memory_space<vmem>>) offsets(%dma_start3A_641 : memref<72xi32, #tpu.memory_space<vmem>>) semaphore(%dma_start3A_646 : memref<!tpu.dma_semaphore, #tpu.memory_space<semaphore_mem>>)
        %dma_start3A_647 = arith.constant 1 : i32
        %dma_start3A_648 = arith.constant 2 : i32
        %dma_start3A_649 = arith.constant 1 : i32
        %dma_start3A_650 = arith.constant 1 : i32
        %dma_start3A_651 = arith.constant 400 : i32
        %dma_start3A_652 = arith.constant 0 : i32
        %dma_start3A_653 = tpu.memref_slice %arg6[%dma_start3A_649, %dma_start3A_651, %dma_start3A_652] : memref<2x800x64xf32, #tpu.memory_space<vmem>> -> memref<1x128x64xf32, #tpu.memory_space<vmem>>
        %dma_start3A_654 = tpu.memref_squeeze %dma_start3A_653 : memref<1x128x64xf32, #tpu.memory_space<vmem>> -> memref<128x64xf32, #tpu.memory_space<vmem>>
        %dma_start3A_655 = arith.constant 0 : i32
        %dma_start3A_656 = tpu.memref_slice %arg5[%dma_start3A_647, %dma_start3A_648, %dma_start3A_655] : memref<2x4x200xi32, #tpu.memory_space<vmem>> -> memref<1x1x128xi32, #tpu.memory_space<vmem>>
        %dma_start3A_657 = tpu.memref_squeeze %dma_start3A_656 : memref<1x1x128xi32, #tpu.memory_space<vmem>> -> memref<128xi32, #tpu.memory_space<vmem>>
        %dma_start3A_658 = arith.constant 0 : i32
        %dma_start3A_659 = arith.constant 0 : i32
        %dma_start3A_660 = tpu.memref_slice %arg3[%dma_start3A_658, %dma_start3A_659] : memref<1000000x64xf32, #tpu.memory_space<hbm>> -> memref<1000000x64xf32, #tpu.memory_space<hbm>>
        %dma_start3A_661 = tpu.memref_slice %arg8[%dma_start3A_650] : memref<2x!tpu.dma_semaphore, #tpu.memory_space<semaphore_mem>> -> memref<1x!tpu.dma_semaphore, #tpu.memory_space<semaphore_mem>>
        %dma_start3A_662 = tpu.memref_squeeze %dma_start3A_661 : memref<1x!tpu.dma_semaphore, #tpu.memory_space<semaphore_mem>> -> memref<!tpu.dma_semaphore, #tpu.memory_space<semaphore_mem>>
        tpu.enqueue_indirect_dma source(%dma_start3A_660 : memref<1000000x64xf32, #tpu.memory_space<hbm>>) target(%dma_start3A_654 : memref<128x64xf32, #tpu.memory_space<vmem>>) offsets(%dma_start3A_657 : memref<128xi32, #tpu.memory_space<vmem>>) semaphore(%dma_start3A_662 : memref<!tpu.dma_semaphore, #tpu.memory_space<semaphore_mem>>)
        %dma_start3A_663 = arith.constant 1 : i32
        %dma_start3A_664 = arith.constant 2 : i32
        %dma_start3A_665 = arith.constant 1 : i32
        %dma_start3A_666 = arith.constant 1 : i32
        %dma_start3A_667 = arith.constant 528 : i32
        %dma_start3A_668 = arith.constant 0 : i32
        %dma_start3A_669 = tpu.memref_slice %arg6[%dma_start3A_665, %dma_start3A_667, %dma_start3A_668] : memref<2x800x64xf32, #tpu.memory_space<vmem>> -> memref<1x72x64xf32, #tpu.memory_space<vmem>>
        %dma_start3A_670 = tpu.memref_squeeze %dma_start3A_669 : memref<1x72x64xf32, #tpu.memory_space<vmem>> -> memref<72x64xf32, #tpu.memory_space<vmem>>
        %dma_start3A_671 = arith.constant 128 : i32
        %dma_start3A_672 = tpu.memref_slice %arg5[%dma_start3A_663, %dma_start3A_664, %dma_start3A_671] : memref<2x4x200xi32, #tpu.memory_space<vmem>> -> memref<1x1x72xi32, #tpu.memory_space<vmem>>
        %dma_start3A_673 = tpu.memref_squeeze %dma_start3A_672 : memref<1x1x72xi32, #tpu.memory_space<vmem>> -> memref<72xi32, #tpu.memory_space<vmem>>
        %dma_start3A_674 = arith.constant 0 : i32
        %dma_start3A_675 = arith.constant 0 : i32
        %dma_start3A_676 = tpu.memref_slice %arg3[%dma_start3A_674, %dma_start3A_675] : memref<1000000x64xf32, #tpu.memory_space<hbm>> -> memref<1000000x64xf32, #tpu.memory_space<hbm>>
        %dma_start3A_677 = tpu.memref_slice %arg8[%dma_start3A_666] : memref<2x!tpu.dma_semaphore, #tpu.memory_space<semaphore_mem>> -> memref<1x!tpu.dma_semaphore, #tpu.memory_space<semaphore_mem>>
        %dma_start3A_678 = tpu.memref_squeeze %dma_start3A_677 : memref<1x!tpu.dma_semaphore, #tpu.memory_space<semaphore_mem>> -> memref<!tpu.dma_semaphore, #tpu.memory_space<semaphore_mem>>
        tpu.enqueue_indirect_dma source(%dma_start3A_676 : memref<1000000x64xf32, #tpu.memory_space<hbm>>) target(%dma_start3A_670 : memref<72x64xf32, #tpu.memory_space<vmem>>) offsets(%dma_start3A_673 : memref<72xi32, #tpu.memory_space<vmem>>) semaphore(%dma_start3A_678 : memref<!tpu.dma_semaphore, #tpu.memory_space<semaphore_mem>>)
        %dma_start3A_679 = arith.constant 1 : i32
        %dma_start3A_680 = arith.constant 3 : i32
        %dma_start3A_681 = arith.constant 1 : i32
        %dma_start3A_682 = arith.constant 1 : i32
        %dma_start3A_683 = arith.constant 600 : i32
        %dma_start3A_684 = arith.constant 0 : i32
        %dma_start3A_685 = tpu.memref_slice %arg6[%dma_start3A_681, %dma_start3A_683, %dma_start3A_684] : memref<2x800x64xf32, #tpu.memory_space<vmem>> -> memref<1x128x64xf32, #tpu.memory_space<vmem>>
        %dma_start3A_686 = tpu.memref_squeeze %dma_start3A_685 : memref<1x128x64xf32, #tpu.memory_space<vmem>> -> memref<128x64xf32, #tpu.memory_space<vmem>>
        %dma_start3A_687 = arith.constant 0 : i32
        %dma_start3A_688 = tpu.memref_slice %arg5[%dma_start3A_679, %dma_start3A_680, %dma_start3A_687] : memref<2x4x200xi32, #tpu.memory_space<vmem>> -> memref<1x1x128xi32, #tpu.memory_space<vmem>>
        %dma_start3A_689 = tpu.memref_squeeze %dma_start3A_688 : memref<1x1x128xi32, #tpu.memory_space<vmem>> -> memref<128xi32, #tpu.memory_space<vmem>>
        %dma_start3A_690 = arith.constant 0 : i32
        %dma_start3A_691 = arith.constant 0 : i32
        %dma_start3A_692 = tpu.memref_slice %arg3[%dma_start3A_690, %dma_start3A_691] : memref<1000000x64xf32, #tpu.memory_space<hbm>> -> memref<1000000x64xf32, #tpu.memory_space<hbm>>
        %dma_start3A_693 = tpu.memref_slice %arg8[%dma_start3A_682] : memref<2x!tpu.dma_semaphore, #tpu.memory_space<semaphore_mem>> -> memref<1x!tpu.dma_semaphore, #tpu.memory_space<semaphore_mem>>
        %dma_start3A_694 = tpu.memref_squeeze %dma_start3A_693 : memref<1x!tpu.dma_semaphore, #tpu.memory_space<semaphore_mem>> -> memref<!tpu.dma_semaphore, #tpu.memory_space<semaphore_mem>>
        tpu.enqueue_indirect_dma source(%dma_start3A_692 : memref<1000000x64xf32, #tpu.memory_space<hbm>>) target(%dma_start3A_686 : memref<128x64xf32, #tpu.memory_space<vmem>>) offsets(%dma_start3A_689 : memref<128xi32, #tpu.memory_space<vmem>>) semaphore(%dma_start3A_694 : memref<!tpu.dma_semaphore, #tpu.memory_space<semaphore_mem>>)
        %dma_start3A_695 = arith.constant 1 : i32
        %dma_start3A_696 = arith.constant 3 : i32
        %dma_start3A_697 = arith.constant 1 : i32
        %dma_start3A_698 = arith.constant 1 : i32
        %dma_start3A_699 = arith.constant 728 : i32
        %dma_start3A_700 = arith.constant 0 : i32
        %dma_start3A_701 = tpu.memref_slice %arg6[%dma_start3A_697, %dma_start3A_699, %dma_start3A_700] : memref<2x800x64xf32, #tpu.memory_space<vmem>> -> memref<1x72x64xf32, #tpu.memory_space<vmem>>
        %dma_start3A_702 = tpu.memref_squeeze %dma_start3A_701 : memref<1x72x64xf32, #tpu.memory_space<vmem>> -> memref<72x64xf32, #tpu.memory_space<vmem>>
        %dma_start3A_703 = arith.constant 128 : i32
        %dma_start3A_704 = tpu.memref_slice %arg5[%dma_start3A_695, %dma_start3A_696, %dma_start3A_703] : memref<2x4x200xi32, #tpu.memory_space<vmem>> -> memref<1x1x72xi32, #tpu.memory_space<vmem>>
        %dma_start3A_705 = tpu.memref_squeeze %dma_start3A_704 : memref<1x1x72xi32, #tpu.memory_space<vmem>> -> memref<72xi32, #tpu.memory_space<vmem>>
        %dma_start3A_706 = arith.constant 0 : i32
        %dma_start3A_707 = arith.constant 0 : i32
        %dma_start3A_708 = tpu.memref_slice %arg3[%dma_start3A_706, %dma_start3A_707] : memref<1000000x64xf32, #tpu.memory_space<hbm>> -> memref<1000000x64xf32, #tpu.memory_space<hbm>>
        %dma_start3A_709 = tpu.memref_slice %arg8[%dma_start3A_698] : memref<2x!tpu.dma_semaphore, #tpu.memory_space<semaphore_mem>> -> memref<1x!tpu.dma_semaphore, #tpu.memory_space<semaphore_mem>>
        %dma_start3A_710 = tpu.memref_squeeze %dma_start3A_709 : memref<1x!tpu.dma_semaphore, #tpu.memory_space<semaphore_mem>> -> memref<!tpu.dma_semaphore, #tpu.memory_space<semaphore_mem>>
        tpu.enqueue_indirect_dma source(%dma_start3A_708 : memref<1000000x64xf32, #tpu.memory_space<hbm>>) target(%dma_start3A_702 : memref<72x64xf32, #tpu.memory_space<vmem>>) offsets(%dma_start3A_705 : memref<72xi32, #tpu.memory_space<vmem>>) semaphore(%dma_start3A_710 : memref<!tpu.dma_semaphore, #tpu.memory_space<semaphore_mem>>)
      } else {
      }
      %dma_wait3A_237 = arith.constant 0 : i32
      %dma_wait3A_238 = arith.constant 0 : i32
      %dma_wait3A_239 = arith.constant 0 : i32
      %dma_wait3A_240 = arith.constant 0 : i32
      %dma_wait3A_241 = arith.constant 0 : i32
      %dma_wait3A_242 = arith.constant 0 : i32
      %dma_wait3A_243 = tpu.memref_slice %arg6[%dma_wait3A_239, %dma_wait3A_241, %dma_wait3A_242] : memref<2x800x64xf32, #tpu.memory_space<vmem>> -> memref<1x128x64xf32, #tpu.memory_space<vmem>>
      %dma_wait3A_244 = tpu.memref_squeeze %dma_wait3A_243 : memref<1x128x64xf32, #tpu.memory_space<vmem>> -> memref<128x64xf32, #tpu.memory_space<vmem>>
      %dma_wait3A_245 = arith.constant 0 : i32
      %dma_wait3A_246 = tpu.memref_slice %arg5[%dma_wait3A_237, %dma_wait3A_238, %dma_wait3A_245] : memref<2x4x200xi32, #tpu.memory_space<vmem>> -> memref<1x1x128xi32, #tpu.memory_space<vmem>>
      %dma_wait3A_247 = tpu.memref_squeeze %dma_wait3A_246 : memref<1x1x128xi32, #tpu.memory_space<vmem>> -> memref<128xi32, #tpu.memory_space<vmem>>
      %dma_wait3A_248 = arith.constant 0 : i32
      %dma_wait3A_249 = arith.constant 0 : i32
      %dma_wait3A_250 = tpu.memref_slice %arg3[%dma_wait3A_248, %dma_wait3A_249] : memref<1000000x64xf32, #tpu.memory_space<hbm>> -> memref<1000000x64xf32, #tpu.memory_space<hbm>>
      %dma_wait3A_251 = tpu.memref_slice %arg8[%dma_wait3A_240] : memref<2x!tpu.dma_semaphore, #tpu.memory_space<semaphore_mem>> -> memref<1x!tpu.dma_semaphore, #tpu.memory_space<semaphore_mem>>
      %dma_wait3A_252 = tpu.memref_squeeze %dma_wait3A_251 : memref<1x!tpu.dma_semaphore, #tpu.memory_space<semaphore_mem>> -> memref<!tpu.dma_semaphore, #tpu.memory_space<semaphore_mem>>
      tpu.wait_indirect_dma semaphore(%dma_wait3A_252 : memref<!tpu.dma_semaphore, #tpu.memory_space<semaphore_mem>>) src(%dma_wait3A_250 : memref<1000000x64xf32, #tpu.memory_space<hbm>>) dst(%dma_wait3A_244 : memref<128x64xf32, #tpu.memory_space<vmem>>)
      %dma_wait3A_253 = arith.constant 0 : i32
      %dma_wait3A_254 = arith.constant 0 : i32
      %dma_wait3A_255 = arith.constant 0 : i32
      %dma_wait3A_256 = arith.constant 0 : i32
      %dma_wait3A_257 = arith.constant 128 : i32
      %dma_wait3A_258 = arith.constant 0 : i32
      %dma_wait3A_259 = tpu.memref_slice %arg6[%dma_wait3A_255, %dma_wait3A_257, %dma_wait3A_258] : memref<2x800x64xf32, #tpu.memory_space<vmem>> -> memref<1x72x64xf32, #tpu.memory_space<vmem>>
      %dma_wait3A_260 = tpu.memref_squeeze %dma_wait3A_259 : memref<1x72x64xf32, #tpu.memory_space<vmem>> -> memref<72x64xf32, #tpu.memory_space<vmem>>
      %dma_wait3A_261 = arith.constant 128 : i32
      %dma_wait3A_262 = tpu.memref_slice %arg5[%dma_wait3A_253, %dma_wait3A_254, %dma_wait3A_261] : memref<2x4x200xi32, #tpu.memory_space<vmem>> -> memref<1x1x72xi32, #tpu.memory_space<vmem>>
      %dma_wait3A_263 = tpu.memref_squeeze %dma_wait3A_262 : memref<1x1x72xi32, #tpu.memory_space<vmem>> -> memref<72xi32, #tpu.memory_space<vmem>>
      %dma_wait3A_264 = arith.constant 0 : i32
      %dma_wait3A_265 = arith.constant 0 : i32
      %dma_wait3A_266 = tpu.memref_slice %arg3[%dma_wait3A_264, %dma_wait3A_265] : memref<1000000x64xf32, #tpu.memory_space<hbm>> -> memref<1000000x64xf32, #tpu.memory_space<hbm>>
      %dma_wait3A_267 = tpu.memref_slice %arg8[%dma_wait3A_256] : memref<2x!tpu.dma_semaphore, #tpu.memory_space<semaphore_mem>> -> memref<1x!tpu.dma_semaphore, #tpu.memory_space<semaphore_mem>>
      %dma_wait3A_268 = tpu.memref_squeeze %dma_wait3A_267 : memref<1x!tpu.dma_semaphore, #tpu.memory_space<semaphore_mem>> -> memref<!tpu.dma_semaphore, #tpu.memory_space<semaphore_mem>>
      tpu.wait_indirect_dma semaphore(%dma_wait3A_268 : memref<!tpu.dma_semaphore, #tpu.memory_space<semaphore_mem>>) src(%dma_wait3A_266 : memref<1000000x64xf32, #tpu.memory_space<hbm>>) dst(%dma_wait3A_260 : memref<72x64xf32, #tpu.memory_space<vmem>>)
      %dma_wait3A_269 = arith.constant 0 : i32
      %dma_wait3A_270 = arith.constant 1 : i32
      %dma_wait3A_271 = arith.constant 0 : i32
      %dma_wait3A_272 = arith.constant 0 : i32
      %dma_wait3A_273 = arith.constant 200 : i32
      %dma_wait3A_274 = arith.constant 0 : i32
      %dma_wait3A_275 = tpu.memref_slice %arg6[%dma_wait3A_271, %dma_wait3A_273, %dma_wait3A_274] : memref<2x800x64xf32, #tpu.memory_space<vmem>> -> memref<1x128x64xf32, #tpu.memory_space<vmem>>
      %dma_wait3A_276 = tpu.memref_squeeze %dma_wait3A_275 : memref<1x128x64xf32, #tpu.memory_space<vmem>> -> memref<128x64xf32, #tpu.memory_space<vmem>>
      %dma_wait3A_277 = arith.constant 0 : i32
      %dma_wait3A_278 = tpu.memref_slice %arg5[%dma_wait3A_269, %dma_wait3A_270, %dma_wait3A_277] : memref<2x4x200xi32, #tpu.memory_space<vmem>> -> memref<1x1x128xi32, #tpu.memory_space<vmem>>
      %dma_wait3A_279 = tpu.memref_squeeze %dma_wait3A_278 : memref<1x1x128xi32, #tpu.memory_space<vmem>> -> memref<128xi32, #tpu.memory_space<vmem>>
      %dma_wait3A_280 = arith.constant 0 : i32
      %dma_wait3A_281 = arith.constant 0 : i32
      %dma_wait3A_282 = tpu.memref_slice %arg3[%dma_wait3A_280, %dma_wait3A_281] : memref<1000000x64xf32, #tpu.memory_space<hbm>> -> memref<1000000x64xf32, #tpu.memory_space<hbm>>
      %dma_wait3A_283 = tpu.memref_slice %arg8[%dma_wait3A_272] : memref<2x!tpu.dma_semaphore, #tpu.memory_space<semaphore_mem>> -> memref<1x!tpu.dma_semaphore, #tpu.memory_space<semaphore_mem>>
      %dma_wait3A_284 = tpu.memref_squeeze %dma_wait3A_283 : memref<1x!tpu.dma_semaphore, #tpu.memory_space<semaphore_mem>> -> memref<!tpu.dma_semaphore, #tpu.memory_space<semaphore_mem>>
      tpu.wait_indirect_dma semaphore(%dma_wait3A_284 : memref<!tpu.dma_semaphore, #tpu.memory_space<semaphore_mem>>) src(%dma_wait3A_282 : memref<1000000x64xf32, #tpu.memory_space<hbm>>) dst(%dma_wait3A_276 : memref<128x64xf32, #tpu.memory_space<vmem>>)
      %dma_wait3A_285 = arith.constant 0 : i32
      %dma_wait3A_286 = arith.constant 1 : i32
      %dma_wait3A_287 = arith.constant 0 : i32
      %dma_wait3A_288 = arith.constant 0 : i32
      %dma_wait3A_289 = arith.constant 328 : i32
      %dma_wait3A_290 = arith.constant 0 : i32
      %dma_wait3A_291 = tpu.memref_slice %arg6[%dma_wait3A_287, %dma_wait3A_289, %dma_wait3A_290] : memref<2x800x64xf32, #tpu.memory_space<vmem>> -> memref<1x72x64xf32, #tpu.memory_space<vmem>>
      %dma_wait3A_292 = tpu.memref_squeeze %dma_wait3A_291 : memref<1x72x64xf32, #tpu.memory_space<vmem>> -> memref<72x64xf32, #tpu.memory_space<vmem>>
      %dma_wait3A_293 = arith.constant 128 : i32
      %dma_wait3A_294 = tpu.memref_slice %arg5[%dma_wait3A_285, %dma_wait3A_286, %dma_wait3A_293] : memref<2x4x200xi32, #tpu.memory_space<vmem>> -> memref<1x1x72xi32, #tpu.memory_space<vmem>>
      %dma_wait3A_295 = tpu.memref_squeeze %dma_wait3A_294 : memref<1x1x72xi32, #tpu.memory_space<vmem>> -> memref<72xi32, #tpu.memory_space<vmem>>
      %dma_wait3A_296 = arith.constant 0 : i32
      %dma_wait3A_297 = arith.constant 0 : i32
      %dma_wait3A_298 = tpu.memref_slice %arg3[%dma_wait3A_296, %dma_wait3A_297] : memref<1000000x64xf32, #tpu.memory_space<hbm>> -> memref<1000000x64xf32, #tpu.memory_space<hbm>>
      %dma_wait3A_299 = tpu.memref_slice %arg8[%dma_wait3A_288] : memref<2x!tpu.dma_semaphore, #tpu.memory_space<semaphore_mem>> -> memref<1x!tpu.dma_semaphore, #tpu.memory_space<semaphore_mem>>
      %dma_wait3A_300 = tpu.memref_squeeze %dma_wait3A_299 : memref<1x!tpu.dma_semaphore, #tpu.memory_space<semaphore_mem>> -> memref<!tpu.dma_semaphore, #tpu.memory_space<semaphore_mem>>
      tpu.wait_indirect_dma semaphore(%dma_wait3A_300 : memref<!tpu.dma_semaphore, #tpu.memory_space<semaphore_mem>>) src(%dma_wait3A_298 : memref<1000000x64xf32, #tpu.memory_space<hbm>>) dst(%dma_wait3A_292 : memref<72x64xf32, #tpu.memory_space<vmem>>)
      %dma_wait3A_301 = arith.constant 0 : i32
      %dma_wait3A_302 = arith.constant 2 : i32
      %dma_wait3A_303 = arith.constant 0 : i32
      %dma_wait3A_304 = arith.constant 0 : i32
      %dma_wait3A_305 = arith.constant 400 : i32
      %dma_wait3A_306 = arith.constant 0 : i32
      %dma_wait3A_307 = tpu.memref_slice %arg6[%dma_wait3A_303, %dma_wait3A_305, %dma_wait3A_306] : memref<2x800x64xf32, #tpu.memory_space<vmem>> -> memref<1x128x64xf32, #tpu.memory_space<vmem>>
      %dma_wait3A_308 = tpu.memref_squeeze %dma_wait3A_307 : memref<1x128x64xf32, #tpu.memory_space<vmem>> -> memref<128x64xf32, #tpu.memory_space<vmem>>
      %dma_wait3A_309 = arith.constant 0 : i32
      %dma_wait3A_310 = tpu.memref_slice %arg5[%dma_wait3A_301, %dma_wait3A_302, %dma_wait3A_309] : memref<2x4x200xi32, #tpu.memory_space<vmem>> -> memref<1x1x128xi32, #tpu.memory_space<vmem>>
      %dma_wait3A_311 = tpu.memref_squeeze %dma_wait3A_310 : memref<1x1x128xi32, #tpu.memory_space<vmem>> -> memref<128xi32, #tpu.memory_space<vmem>>
      %dma_wait3A_312 = arith.constant 0 : i32
      %dma_wait3A_313 = arith.constant 0 : i32
      %dma_wait3A_314 = tpu.memref_slice %arg3[%dma_wait3A_312, %dma_wait3A_313] : memref<1000000x64xf32, #tpu.memory_space<hbm>> -> memref<1000000x64xf32, #tpu.memory_space<hbm>>
      %dma_wait3A_315 = tpu.memref_slice %arg8[%dma_wait3A_304] : memref<2x!tpu.dma_semaphore, #tpu.memory_space<semaphore_mem>> -> memref<1x!tpu.dma_semaphore, #tpu.memory_space<semaphore_mem>>
      %dma_wait3A_316 = tpu.memref_squeeze %dma_wait3A_315 : memref<1x!tpu.dma_semaphore, #tpu.memory_space<semaphore_mem>> -> memref<!tpu.dma_semaphore, #tpu.memory_space<semaphore_mem>>
      tpu.wait_indirect_dma semaphore(%dma_wait3A_316 : memref<!tpu.dma_semaphore, #tpu.memory_space<semaphore_mem>>) src(%dma_wait3A_314 : memref<1000000x64xf32, #tpu.memory_space<hbm>>) dst(%dma_wait3A_308 : memref<128x64xf32, #tpu.memory_space<vmem>>)
      %dma_wait3A_317 = arith.constant 0 : i32
      %dma_wait3A_318 = arith.constant 2 : i32
      %dma_wait3A_319 = arith.constant 0 : i32
      %dma_wait3A_320 = arith.constant 0 : i32
      %dma_wait3A_321 = arith.constant 528 : i32
      %dma_wait3A_322 = arith.constant 0 : i32
      %dma_wait3A_323 = tpu.memref_slice %arg6[%dma_wait3A_319, %dma_wait3A_321, %dma_wait3A_322] : memref<2x800x64xf32, #tpu.memory_space<vmem>> -> memref<1x72x64xf32, #tpu.memory_space<vmem>>
      %dma_wait3A_324 = tpu.memref_squeeze %dma_wait3A_323 : memref<1x72x64xf32, #tpu.memory_space<vmem>> -> memref<72x64xf32, #tpu.memory_space<vmem>>
      %dma_wait3A_325 = arith.constant 128 : i32
      %dma_wait3A_326 = tpu.memref_slice %arg5[%dma_wait3A_317, %dma_wait3A_318, %dma_wait3A_325] : memref<2x4x200xi32, #tpu.memory_space<vmem>> -> memref<1x1x72xi32, #tpu.memory_space<vmem>>
      %dma_wait3A_327 = tpu.memref_squeeze %dma_wait3A_326 : memref<1x1x72xi32, #tpu.memory_space<vmem>> -> memref<72xi32, #tpu.memory_space<vmem>>
      %dma_wait3A_328 = arith.constant 0 : i32
      %dma_wait3A_329 = arith.constant 0 : i32
      %dma_wait3A_330 = tpu.memref_slice %arg3[%dma_wait3A_328, %dma_wait3A_329] : memref<1000000x64xf32, #tpu.memory_space<hbm>> -> memref<1000000x64xf32, #tpu.memory_space<hbm>>
      %dma_wait3A_331 = tpu.memref_slice %arg8[%dma_wait3A_320] : memref<2x!tpu.dma_semaphore, #tpu.memory_space<semaphore_mem>> -> memref<1x!tpu.dma_semaphore, #tpu.memory_space<semaphore_mem>>
      %dma_wait3A_332 = tpu.memref_squeeze %dma_wait3A_331 : memref<1x!tpu.dma_semaphore, #tpu.memory_space<semaphore_mem>> -> memref<!tpu.dma_semaphore, #tpu.memory_space<semaphore_mem>>
      tpu.wait_indirect_dma semaphore(%dma_wait3A_332 : memref<!tpu.dma_semaphore, #tpu.memory_space<semaphore_mem>>) src(%dma_wait3A_330 : memref<1000000x64xf32, #tpu.memory_space<hbm>>) dst(%dma_wait3A_324 : memref<72x64xf32, #tpu.memory_space<vmem>>)
      %dma_wait3A_333 = arith.constant 0 : i32
      %dma_wait3A_334 = arith.constant 3 : i32
      %dma_wait3A_335 = arith.constant 0 : i32
      %dma_wait3A_336 = arith.constant 0 : i32
      %dma_wait3A_337 = arith.constant 600 : i32
      %dma_wait3A_338 = arith.constant 0 : i32
      %dma_wait3A_339 = tpu.memref_slice %arg6[%dma_wait3A_335, %dma_wait3A_337, %dma_wait3A_338] : memref<2x800x64xf32, #tpu.memory_space<vmem>> -> memref<1x128x64xf32, #tpu.memory_space<vmem>>
      %dma_wait3A_340 = tpu.memref_squeeze %dma_wait3A_339 : memref<1x128x64xf32, #tpu.memory_space<vmem>> -> memref<128x64xf32, #tpu.memory_space<vmem>>
      %dma_wait3A_341 = arith.constant 0 : i32
      %dma_wait3A_342 = tpu.memref_slice %arg5[%dma_wait3A_333, %dma_wait3A_334, %dma_wait3A_341] : memref<2x4x200xi32, #tpu.memory_space<vmem>> -> memref<1x1x128xi32, #tpu.memory_space<vmem>>
      %dma_wait3A_343 = tpu.memref_squeeze %dma_wait3A_342 : memref<1x1x128xi32, #tpu.memory_space<vmem>> -> memref<128xi32, #tpu.memory_space<vmem>>
      %dma_wait3A_344 = arith.constant 0 : i32
      %dma_wait3A_345 = arith.constant 0 : i32
      %dma_wait3A_346 = tpu.memref_slice %arg3[%dma_wait3A_344, %dma_wait3A_345] : memref<1000000x64xf32, #tpu.memory_space<hbm>> -> memref<1000000x64xf32, #tpu.memory_space<hbm>>
      %dma_wait3A_347 = tpu.memref_slice %arg8[%dma_wait3A_336] : memref<2x!tpu.dma_semaphore, #tpu.memory_space<semaphore_mem>> -> memref<1x!tpu.dma_semaphore, #tpu.memory_space<semaphore_mem>>
      %dma_wait3A_348 = tpu.memref_squeeze %dma_wait3A_347 : memref<1x!tpu.dma_semaphore, #tpu.memory_space<semaphore_mem>> -> memref<!tpu.dma_semaphore, #tpu.memory_space<semaphore_mem>>
      tpu.wait_indirect_dma semaphore(%dma_wait3A_348 : memref<!tpu.dma_semaphore, #tpu.memory_space<semaphore_mem>>) src(%dma_wait3A_346 : memref<1000000x64xf32, #tpu.memory_space<hbm>>) dst(%dma_wait3A_340 : memref<128x64xf32, #tpu.memory_space<vmem>>)
      %dma_wait3A_349 = arith.constant 0 : i32
      %dma_wait3A_350 = arith.constant 3 : i32
      %dma_wait3A_351 = arith.constant 0 : i32
      %dma_wait3A_352 = arith.constant 0 : i32
      %dma_wait3A_353 = arith.constant 728 : i32
      %dma_wait3A_354 = arith.constant 0 : i32
      %dma_wait3A_355 = tpu.memref_slice %arg6[%dma_wait3A_351, %dma_wait3A_353, %dma_wait3A_354] : memref<2x800x64xf32, #tpu.memory_space<vmem>> -> memref<1x72x64xf32, #tpu.memory_space<vmem>>
      %dma_wait3A_356 = tpu.memref_squeeze %dma_wait3A_355 : memref<1x72x64xf32, #tpu.memory_space<vmem>> -> memref<72x64xf32, #tpu.memory_space<vmem>>
      %dma_wait3A_357 = arith.constant 128 : i32
      %dma_wait3A_358 = tpu.memref_slice %arg5[%dma_wait3A_349, %dma_wait3A_350, %dma_wait3A_357] : memref<2x4x200xi32, #tpu.memory_space<vmem>> -> memref<1x1x72xi32, #tpu.memory_space<vmem>>
      %dma_wait3A_359 = tpu.memref_squeeze %dma_wait3A_358 : memref<1x1x72xi32, #tpu.memory_space<vmem>> -> memref<72xi32, #tpu.memory_space<vmem>>
      %dma_wait3A_360 = arith.constant 0 : i32
      %dma_wait3A_361 = arith.constant 0 : i32
      %dma_wait3A_362 = tpu.memref_slice %arg3[%dma_wait3A_360, %dma_wait3A_361] : memref<1000000x64xf32, #tpu.memory_space<hbm>> -> memref<1000000x64xf32, #tpu.memory_space<hbm>>
      %dma_wait3A_363 = tpu.memref_slice %arg8[%dma_wait3A_352] : memref<2x!tpu.dma_semaphore, #tpu.memory_space<semaphore_mem>> -> memref<1x!tpu.dma_semaphore, #tpu.memory_space<semaphore_mem>>
      %dma_wait3A_364 = tpu.memref_squeeze %dma_wait3A_363 : memref<1x!tpu.dma_semaphore, #tpu.memory_space<semaphore_mem>> -> memref<!tpu.dma_semaphore, #tpu.memory_space<semaphore_mem>>
      tpu.wait_indirect_dma semaphore(%dma_wait3A_364 : memref<!tpu.dma_semaphore, #tpu.memory_space<semaphore_mem>>) src(%dma_wait3A_362 : memref<1000000x64xf32, #tpu.memory_space<hbm>>) dst(%dma_wait3A_356 : memref<72x64xf32, #tpu.memory_space<vmem>>)
      %mul3A_365 = arith.constant 4 : i32
      %mul3A_366 = arith.muli %add3A_232, %mul3A_365 : i32
      %add3A_367 = arith.addi %mul3A_2, %mul3A_366 : i32
      %mul3A_368 = arith.constant 200 : i32
      %mul3A_369 = arith.muli %add3A_367, %mul3A_368 : i32
      %dma_start3A_370 = arith.constant 0 : i32
      %dma_start3A_371 = arith.constant 0 : i32
      %dma_start3A_372 = arith.constant 0 : i32
      %dma_start3A_373 = arith.constant 0 : i32
      %dma_start3A_374 = tpu.memref_slice %arg6[%dma_start3A_370, %dma_start3A_372, %dma_start3A_373] : memref<2x800x64xf32, #tpu.memory_space<vmem>> -> memref<1x800x64xf32, #tpu.memory_space<vmem>>
      %dma_start3A_375 = tpu.memref_squeeze %dma_start3A_374 : memref<1x800x64xf32, #tpu.memory_space<vmem>> -> memref<800x64xf32, #tpu.memory_space<vmem>>
      %dma_start3A_376 = arith.constant 0 : i32
      %dma_start3A_377 = tpu.memref_slice %arg4[%mul3A_369, %dma_start3A_376] : memref<819200x128xf32, #tpu.memory_space<hbm>> -> memref<800x64xf32, #tpu.memory_space<hbm>>
      %dma_start3A_378 = tpu.memref_slice %arg9[%dma_start3A_371] : memref<2x!tpu.dma_semaphore, #tpu.memory_space<semaphore_mem>> -> memref<1x!tpu.dma_semaphore, #tpu.memory_space<semaphore_mem>>
      %dma_start3A_379 = tpu.memref_squeeze %dma_start3A_378 : memref<1x!tpu.dma_semaphore, #tpu.memory_space<semaphore_mem>> -> memref<!tpu.dma_semaphore, #tpu.memory_space<semaphore_mem>>
      %dma_start3A_380 = arith.constant 0 : i32
      %dma_start3A_381 = tpu.memref_slice %arg4[%mul3A_369, %dma_start3A_380] : memref<819200x128xf32, #tpu.memory_space<hbm>> -> memref<800x64xf32, #tpu.memory_space<hbm>>
      %dma_start3A_382 = arith.constant 0 : i32
      %dma_start3A_383 = arith.constant 0 : i32
      %dma_start3A_384 = tpu.memref_slice %arg6[%dma_start3A_370, %dma_start3A_382, %dma_start3A_383] : memref<2x800x64xf32, #tpu.memory_space<vmem>> -> memref<1x800x64xf32, #tpu.memory_space<vmem>>
      %dma_start3A_385 = tpu.memref_squeeze %dma_start3A_384 : memref<1x800x64xf32, #tpu.memory_space<vmem>> -> memref<800x64xf32, #tpu.memory_space<vmem>>
      tpu.enqueue_dma source(%dma_start3A_385 : memref<800x64xf32, #tpu.memory_space<vmem>>) target(%dma_start3A_381 : memref<800x64xf32, #tpu.memory_space<hbm>>) target_semaphore(%dma_start3A_379 : memref<!tpu.dma_semaphore, #tpu.memory_space<semaphore_mem>>)
      %add3A_386 = arith.constant 2 : i32
      %add3A_387 = arith.addi %add3A_232, %add3A_386 : i32
      %lt3A_388 = arith.constant 32 : i32
      %lt3A_389 = arith.cmpi slt, %add3A_387, %lt3A_388 : i32
      %convert_element_type3A_390 = arith.extui %lt3A_389 : i1 to i32
      %cond3A_391 = arith.constant 0 : i32
      %cond3A_392 = arith.cmpi ne, %convert_element_type3A_390, %cond3A_391 : i32
      scf.if %cond3A_392 {
        %add3A_558 = arith.constant 2 : i32
        %add3A_559 = arith.addi %add3A_232, %add3A_558 : i32
        %mul3A_560 = arith.constant 4 : i32
        %mul3A_561 = arith.muli %add3A_559, %mul3A_560 : i32
        %add3A_562 = arith.addi %mul3A_2, %mul3A_561 : i32
        %dma_start3A_563 = arith.constant 0 : i32
        %dma_start3A_564 = arith.constant 0 : i32
        %dma_start3A_565 = arith.constant 0 : i32
        %dma_start3A_566 = arith.constant 0 : i32
        %dma_start3A_567 = tpu.memref_slice %arg5[%dma_start3A_563, %dma_start3A_565, %dma_start3A_566] : memref<2x4x200xi32, #tpu.memory_space<vmem>> -> memref<1x4x200xi32, #tpu.memory_space<vmem>>
        %dma_start3A_568 = tpu.memref_squeeze %dma_start3A_567 : memref<1x4x200xi32, #tpu.memory_space<vmem>> -> memref<4x200xi32, #tpu.memory_space<vmem>>
        %dma_start3A_569 = arith.constant 0 : i32
        %dma_start3A_570 = tpu.memref_slice %arg2[%add3A_562, %dma_start3A_569] : memref<4096x200xi32, #tpu.memory_space<hbm>> -> memref<4x200xi32, #tpu.memory_space<hbm>>
        %dma_start3A_571 = tpu.memref_slice %arg7[%dma_start3A_564] : memref<2x!tpu.dma_semaphore, #tpu.memory_space<semaphore_mem>> -> memref<1x!tpu.dma_semaphore, #tpu.memory_space<semaphore_mem>>
        %dma_start3A_572 = tpu.memref_squeeze %dma_start3A_571 : memref<1x!tpu.dma_semaphore, #tpu.memory_space<semaphore_mem>> -> memref<!tpu.dma_semaphore, #tpu.memory_space<semaphore_mem>>
        %dma_start3A_573 = arith.constant 0 : i32
        %dma_start3A_574 = arith.constant 0 : i32
        %dma_start3A_575 = tpu.memref_slice %arg5[%dma_start3A_563, %dma_start3A_573, %dma_start3A_574] : memref<2x4x200xi32, #tpu.memory_space<vmem>> -> memref<1x4x200xi32, #tpu.memory_space<vmem>>
        %dma_start3A_576 = tpu.memref_squeeze %dma_start3A_575 : memref<1x4x200xi32, #tpu.memory_space<vmem>> -> memref<4x200xi32, #tpu.memory_space<vmem>>
        %dma_start3A_577 = arith.constant 0 : i32
        %dma_start3A_578 = tpu.memref_slice %arg2[%add3A_562, %dma_start3A_577] : memref<4096x200xi32, #tpu.memory_space<hbm>> -> memref<4x200xi32, #tpu.memory_space<hbm>>
        tpu.enqueue_dma source(%dma_start3A_578 : memref<4x200xi32, #tpu.memory_space<hbm>>) target(%dma_start3A_576 : memref<4x200xi32, #tpu.memory_space<vmem>>) target_semaphore(%dma_start3A_572 : memref<!tpu.dma_semaphore, #tpu.memory_space<semaphore_mem>>)
      } else {
      }
      %add3A_393 = arith.constant 1 : i32
      %add3A_394 = arith.addi %mul3A_230, %add3A_393 : i32
      %add3A_395 = arith.constant 1 : i32
      %add3A_396 = arith.addi %add3A_394, %add3A_395 : i32
      %lt3A_397 = arith.constant 32 : i32
      %lt3A_398 = arith.cmpi slt, %add3A_396, %lt3A_397 : i32
      %convert_element_type3A_399 = arith.extui %lt3A_398 : i1 to i32
      %cond3A_400 = arith.constant 0 : i32
      %cond3A_401 = arith.cmpi ne, %convert_element_type3A_399, %cond3A_400 : i32
      scf.if %cond3A_401 {
        %add3A_558 = arith.constant 1 : i32
        %add3A_559 = arith.addi %add3A_394, %add3A_558 : i32
        %mul3A_560 = arith.constant 4 : i32
        %mul3A_561 = arith.muli %add3A_559, %mul3A_560 : i32
        %add3A_562 = arith.addi %mul3A_2, %mul3A_561 : i32
        %dma_wait3A_563 = arith.constant 0 : i32
        %dma_wait3A_564 = arith.constant 0 : i32
        %dma_wait3A_565 = arith.constant 0 : i32
        %dma_wait3A_566 = arith.constant 0 : i32
        %dma_wait3A_567 = tpu.memref_slice %arg5[%dma_wait3A_563, %dma_wait3A_565, %dma_wait3A_566] : memref<2x4x200xi32, #tpu.memory_space<vmem>> -> memref<1x4x200xi32, #tpu.memory_space<vmem>>
        %dma_wait3A_568 = tpu.memref_squeeze %dma_wait3A_567 : memref<1x4x200xi32, #tpu.memory_space<vmem>> -> memref<4x200xi32, #tpu.memory_space<vmem>>
        %dma_wait3A_569 = arith.constant 0 : i32
        %dma_wait3A_570 = tpu.memref_slice %arg2[%add3A_562, %dma_wait3A_569] : memref<4096x200xi32, #tpu.memory_space<hbm>> -> memref<4x200xi32, #tpu.memory_space<hbm>>
        %dma_wait3A_571 = tpu.memref_slice %arg7[%dma_wait3A_564] : memref<2x!tpu.dma_semaphore, #tpu.memory_space<semaphore_mem>> -> memref<1x!tpu.dma_semaphore, #tpu.memory_space<semaphore_mem>>
        %dma_wait3A_572 = tpu.memref_squeeze %dma_wait3A_571 : memref<1x!tpu.dma_semaphore, #tpu.memory_space<semaphore_mem>> -> memref<!tpu.dma_semaphore, #tpu.memory_space<semaphore_mem>>
        %dma_wait3A_573 = arith.constant 0 : i32
        %dma_wait3A_574 = arith.constant 0 : i32
        %dma_wait3A_575 = tpu.memref_slice %arg5[%dma_wait3A_563, %dma_wait3A_573, %dma_wait3A_574] : memref<2x4x200xi32, #tpu.memory_space<vmem>> -> memref<1x4x200xi32, #tpu.memory_space<vmem>>
        %dma_wait3A_576 = tpu.memref_squeeze %dma_wait3A_575 : memref<1x4x200xi32, #tpu.memory_space<vmem>> -> memref<4x200xi32, #tpu.memory_space<vmem>>
        %dma_wait3A_577 = arith.constant 0 : i32
        %dma_wait3A_578 = tpu.memref_slice %arg2[%add3A_562, %dma_wait3A_577] : memref<4096x200xi32, #tpu.memory_space<hbm>> -> memref<4x200xi32, #tpu.memory_space<hbm>>
        tpu.wait_dma2 semaphore(%dma_wait3A_572 : memref<!tpu.dma_semaphore, #tpu.memory_space<semaphore_mem>>) src(%dma_wait3A_578 : memref<4x200xi32, #tpu.memory_space<hbm>>) dst(%dma_wait3A_576 : memref<4x200xi32, #tpu.memory_space<vmem>>)
        %ge3A = arith.constant 1 : i32
        %ge3A_579 = arith.cmpi sge, %add3A_394, %ge3A : i32
        %convert_element_type3A_580 = arith.extui %ge3A_579 : i1 to i32
        %cond3A_581 = arith.constant 0 : i32
        %cond3A_582 = arith.cmpi ne, %convert_element_type3A_580, %cond3A_581 : i32
        scf.if %cond3A_582 {
          %sub3A = arith.constant 1 : i32
          %sub3A_711 = arith.subi %add3A_394, %sub3A : i32
          %mul3A_712 = arith.constant 4 : i32
          %mul3A_713 = arith.muli %sub3A_711, %mul3A_712 : i32
          %add3A_714 = arith.addi %mul3A_2, %mul3A_713 : i32
          %mul3A_715 = arith.constant 200 : i32
          %mul3A_716 = arith.muli %add3A_714, %mul3A_715 : i32
          %dma_wait3A_717 = arith.constant 0 : i32
          %dma_wait3A_718 = arith.constant 0 : i32
          %dma_wait3A_719 = arith.constant 0 : i32
          %dma_wait3A_720 = arith.constant 0 : i32
          %dma_wait3A_721 = tpu.memref_slice %arg6[%dma_wait3A_717, %dma_wait3A_719, %dma_wait3A_720] : memref<2x800x64xf32, #tpu.memory_space<vmem>> -> memref<1x800x64xf32, #tpu.memory_space<vmem>>
          %dma_wait3A_722 = tpu.memref_squeeze %dma_wait3A_721 : memref<1x800x64xf32, #tpu.memory_space<vmem>> -> memref<800x64xf32, #tpu.memory_space<vmem>>
          %dma_wait3A_723 = arith.constant 0 : i32
          %dma_wait3A_724 = tpu.memref_slice %arg4[%mul3A_716, %dma_wait3A_723] : memref<819200x128xf32, #tpu.memory_space<hbm>> -> memref<800x64xf32, #tpu.memory_space<hbm>>
          %dma_wait3A_725 = tpu.memref_slice %arg9[%dma_wait3A_718] : memref<2x!tpu.dma_semaphore, #tpu.memory_space<semaphore_mem>> -> memref<1x!tpu.dma_semaphore, #tpu.memory_space<semaphore_mem>>
          %dma_wait3A_726 = tpu.memref_squeeze %dma_wait3A_725 : memref<1x!tpu.dma_semaphore, #tpu.memory_space<semaphore_mem>> -> memref<!tpu.dma_semaphore, #tpu.memory_space<semaphore_mem>>
          %dma_wait3A_727 = arith.constant 0 : i32
          %dma_wait3A_728 = tpu.memref_slice %arg4[%mul3A_716, %dma_wait3A_727] : memref<819200x128xf32, #tpu.memory_space<hbm>> -> memref<800x64xf32, #tpu.memory_space<hbm>>
          %dma_wait3A_729 = arith.constant 0 : i32
          %dma_wait3A_730 = arith.constant 0 : i32
          %dma_wait3A_731 = tpu.memref_slice %arg6[%dma_wait3A_717, %dma_wait3A_729, %dma_wait3A_730] : memref<2x800x64xf32, #tpu.memory_space<vmem>> -> memref<1x800x64xf32, #tpu.memory_space<vmem>>
          %dma_wait3A_732 = tpu.memref_squeeze %dma_wait3A_731 : memref<1x800x64xf32, #tpu.memory_space<vmem>> -> memref<800x64xf32, #tpu.memory_space<vmem>>
          tpu.wait_dma2 semaphore(%dma_wait3A_726 : memref<!tpu.dma_semaphore, #tpu.memory_space<semaphore_mem>>) src(%dma_wait3A_732 : memref<800x64xf32, #tpu.memory_space<vmem>>) dst(%dma_wait3A_728 : memref<800x64xf32, #tpu.memory_space<hbm>>)
        } else {
        }
        %dma_start3A_583 = arith.constant 0 : i32
        %dma_start3A_584 = arith.constant 0 : i32
        %dma_start3A_585 = arith.constant 0 : i32
        %dma_start3A_586 = arith.constant 0 : i32
        %dma_start3A_587 = arith.constant 0 : i32
        %dma_start3A_588 = arith.constant 0 : i32
        %dma_start3A_589 = tpu.memref_slice %arg6[%dma_start3A_585, %dma_start3A_587, %dma_start3A_588] : memref<2x800x64xf32, #tpu.memory_space<vmem>> -> memref<1x128x64xf32, #tpu.memory_space<vmem>>
        %dma_start3A_590 = tpu.memref_squeeze %dma_start3A_589 : memref<1x128x64xf32, #tpu.memory_space<vmem>> -> memref<128x64xf32, #tpu.memory_space<vmem>>
        %dma_start3A_591 = arith.constant 0 : i32
        %dma_start3A_592 = tpu.memref_slice %arg5[%dma_start3A_583, %dma_start3A_584, %dma_start3A_591] : memref<2x4x200xi32, #tpu.memory_space<vmem>> -> memref<1x1x128xi32, #tpu.memory_space<vmem>>
        %dma_start3A_593 = tpu.memref_squeeze %dma_start3A_592 : memref<1x1x128xi32, #tpu.memory_space<vmem>> -> memref<128xi32, #tpu.memory_space<vmem>>
        %dma_start3A_594 = arith.constant 0 : i32
        %dma_start3A_595 = arith.constant 0 : i32
        %dma_start3A_596 = tpu.memref_slice %arg3[%dma_start3A_594, %dma_start3A_595] : memref<1000000x64xf32, #tpu.memory_space<hbm>> -> memref<1000000x64xf32, #tpu.memory_space<hbm>>
        %dma_start3A_597 = tpu.memref_slice %arg8[%dma_start3A_586] : memref<2x!tpu.dma_semaphore, #tpu.memory_space<semaphore_mem>> -> memref<1x!tpu.dma_semaphore, #tpu.memory_space<semaphore_mem>>
        %dma_start3A_598 = tpu.memref_squeeze %dma_start3A_597 : memref<1x!tpu.dma_semaphore, #tpu.memory_space<semaphore_mem>> -> memref<!tpu.dma_semaphore, #tpu.memory_space<semaphore_mem>>
        tpu.enqueue_indirect_dma source(%dma_start3A_596 : memref<1000000x64xf32, #tpu.memory_space<hbm>>) target(%dma_start3A_590 : memref<128x64xf32, #tpu.memory_space<vmem>>) offsets(%dma_start3A_593 : memref<128xi32, #tpu.memory_space<vmem>>) semaphore(%dma_start3A_598 : memref<!tpu.dma_semaphore, #tpu.memory_space<semaphore_mem>>)
        %dma_start3A_599 = arith.constant 0 : i32
        %dma_start3A_600 = arith.constant 0 : i32
        %dma_start3A_601 = arith.constant 0 : i32
        %dma_start3A_602 = arith.constant 0 : i32
        %dma_start3A_603 = arith.constant 128 : i32
        %dma_start3A_604 = arith.constant 0 : i32
        %dma_start3A_605 = tpu.memref_slice %arg6[%dma_start3A_601, %dma_start3A_603, %dma_start3A_604] : memref<2x800x64xf32, #tpu.memory_space<vmem>> -> memref<1x72x64xf32, #tpu.memory_space<vmem>>
        %dma_start3A_606 = tpu.memref_squeeze %dma_start3A_605 : memref<1x72x64xf32, #tpu.memory_space<vmem>> -> memref<72x64xf32, #tpu.memory_space<vmem>>
        %dma_start3A_607 = arith.constant 128 : i32
        %dma_start3A_608 = tpu.memref_slice %arg5[%dma_start3A_599, %dma_start3A_600, %dma_start3A_607] : memref<2x4x200xi32, #tpu.memory_space<vmem>> -> memref<1x1x72xi32, #tpu.memory_space<vmem>>
        %dma_start3A_609 = tpu.memref_squeeze %dma_start3A_608 : memref<1x1x72xi32, #tpu.memory_space<vmem>> -> memref<72xi32, #tpu.memory_space<vmem>>
        %dma_start3A_610 = arith.constant 0 : i32
        %dma_start3A_611 = arith.constant 0 : i32
        %dma_start3A_612 = tpu.memref_slice %arg3[%dma_start3A_610, %dma_start3A_611] : memref<1000000x64xf32, #tpu.memory_space<hbm>> -> memref<1000000x64xf32, #tpu.memory_space<hbm>>
        %dma_start3A_613 = tpu.memref_slice %arg8[%dma_start3A_602] : memref<2x!tpu.dma_semaphore, #tpu.memory_space<semaphore_mem>> -> memref<1x!tpu.dma_semaphore, #tpu.memory_space<semaphore_mem>>
        %dma_start3A_614 = tpu.memref_squeeze %dma_start3A_613 : memref<1x!tpu.dma_semaphore, #tpu.memory_space<semaphore_mem>> -> memref<!tpu.dma_semaphore, #tpu.memory_space<semaphore_mem>>
        tpu.enqueue_indirect_dma source(%dma_start3A_612 : memref<1000000x64xf32, #tpu.memory_space<hbm>>) target(%dma_start3A_606 : memref<72x64xf32, #tpu.memory_space<vmem>>) offsets(%dma_start3A_609 : memref<72xi32, #tpu.memory_space<vmem>>) semaphore(%dma_start3A_614 : memref<!tpu.dma_semaphore, #tpu.memory_space<semaphore_mem>>)
        %dma_start3A_615 = arith.constant 0 : i32
        %dma_start3A_616 = arith.constant 1 : i32
        %dma_start3A_617 = arith.constant 0 : i32
        %dma_start3A_618 = arith.constant 0 : i32
        %dma_start3A_619 = arith.constant 200 : i32
        %dma_start3A_620 = arith.constant 0 : i32
        %dma_start3A_621 = tpu.memref_slice %arg6[%dma_start3A_617, %dma_start3A_619, %dma_start3A_620] : memref<2x800x64xf32, #tpu.memory_space<vmem>> -> memref<1x128x64xf32, #tpu.memory_space<vmem>>
        %dma_start3A_622 = tpu.memref_squeeze %dma_start3A_621 : memref<1x128x64xf32, #tpu.memory_space<vmem>> -> memref<128x64xf32, #tpu.memory_space<vmem>>
        %dma_start3A_623 = arith.constant 0 : i32
        %dma_start3A_624 = tpu.memref_slice %arg5[%dma_start3A_615, %dma_start3A_616, %dma_start3A_623] : memref<2x4x200xi32, #tpu.memory_space<vmem>> -> memref<1x1x128xi32, #tpu.memory_space<vmem>>
        %dma_start3A_625 = tpu.memref_squeeze %dma_start3A_624 : memref<1x1x128xi32, #tpu.memory_space<vmem>> -> memref<128xi32, #tpu.memory_space<vmem>>
        %dma_start3A_626 = arith.constant 0 : i32
        %dma_start3A_627 = arith.constant 0 : i32
        %dma_start3A_628 = tpu.memref_slice %arg3[%dma_start3A_626, %dma_start3A_627] : memref<1000000x64xf32, #tpu.memory_space<hbm>> -> memref<1000000x64xf32, #tpu.memory_space<hbm>>
        %dma_start3A_629 = tpu.memref_slice %arg8[%dma_start3A_618] : memref<2x!tpu.dma_semaphore, #tpu.memory_space<semaphore_mem>> -> memref<1x!tpu.dma_semaphore, #tpu.memory_space<semaphore_mem>>
        %dma_start3A_630 = tpu.memref_squeeze %dma_start3A_629 : memref<1x!tpu.dma_semaphore, #tpu.memory_space<semaphore_mem>> -> memref<!tpu.dma_semaphore, #tpu.memory_space<semaphore_mem>>
        tpu.enqueue_indirect_dma source(%dma_start3A_628 : memref<1000000x64xf32, #tpu.memory_space<hbm>>) target(%dma_start3A_622 : memref<128x64xf32, #tpu.memory_space<vmem>>) offsets(%dma_start3A_625 : memref<128xi32, #tpu.memory_space<vmem>>) semaphore(%dma_start3A_630 : memref<!tpu.dma_semaphore, #tpu.memory_space<semaphore_mem>>)
        %dma_start3A_631 = arith.constant 0 : i32
        %dma_start3A_632 = arith.constant 1 : i32
        %dma_start3A_633 = arith.constant 0 : i32
        %dma_start3A_634 = arith.constant 0 : i32
        %dma_start3A_635 = arith.constant 328 : i32
        %dma_start3A_636 = arith.constant 0 : i32
        %dma_start3A_637 = tpu.memref_slice %arg6[%dma_start3A_633, %dma_start3A_635, %dma_start3A_636] : memref<2x800x64xf32, #tpu.memory_space<vmem>> -> memref<1x72x64xf32, #tpu.memory_space<vmem>>
        %dma_start3A_638 = tpu.memref_squeeze %dma_start3A_637 : memref<1x72x64xf32, #tpu.memory_space<vmem>> -> memref<72x64xf32, #tpu.memory_space<vmem>>
        %dma_start3A_639 = arith.constant 128 : i32
        %dma_start3A_640 = tpu.memref_slice %arg5[%dma_start3A_631, %dma_start3A_632, %dma_start3A_639] : memref<2x4x200xi32, #tpu.memory_space<vmem>> -> memref<1x1x72xi32, #tpu.memory_space<vmem>>
        %dma_start3A_641 = tpu.memref_squeeze %dma_start3A_640 : memref<1x1x72xi32, #tpu.memory_space<vmem>> -> memref<72xi32, #tpu.memory_space<vmem>>
        %dma_start3A_642 = arith.constant 0 : i32
        %dma_start3A_643 = arith.constant 0 : i32
        %dma_start3A_644 = tpu.memref_slice %arg3[%dma_start3A_642, %dma_start3A_643] : memref<1000000x64xf32, #tpu.memory_space<hbm>> -> memref<1000000x64xf32, #tpu.memory_space<hbm>>
        %dma_start3A_645 = tpu.memref_slice %arg8[%dma_start3A_634] : memref<2x!tpu.dma_semaphore, #tpu.memory_space<semaphore_mem>> -> memref<1x!tpu.dma_semaphore, #tpu.memory_space<semaphore_mem>>
        %dma_start3A_646 = tpu.memref_squeeze %dma_start3A_645 : memref<1x!tpu.dma_semaphore, #tpu.memory_space<semaphore_mem>> -> memref<!tpu.dma_semaphore, #tpu.memory_space<semaphore_mem>>
        tpu.enqueue_indirect_dma source(%dma_start3A_644 : memref<1000000x64xf32, #tpu.memory_space<hbm>>) target(%dma_start3A_638 : memref<72x64xf32, #tpu.memory_space<vmem>>) offsets(%dma_start3A_641 : memref<72xi32, #tpu.memory_space<vmem>>) semaphore(%dma_start3A_646 : memref<!tpu.dma_semaphore, #tpu.memory_space<semaphore_mem>>)
        %dma_start3A_647 = arith.constant 0 : i32
        %dma_start3A_648 = arith.constant 2 : i32
        %dma_start3A_649 = arith.constant 0 : i32
        %dma_start3A_650 = arith.constant 0 : i32
        %dma_start3A_651 = arith.constant 400 : i32
        %dma_start3A_652 = arith.constant 0 : i32
        %dma_start3A_653 = tpu.memref_slice %arg6[%dma_start3A_649, %dma_start3A_651, %dma_start3A_652] : memref<2x800x64xf32, #tpu.memory_space<vmem>> -> memref<1x128x64xf32, #tpu.memory_space<vmem>>
        %dma_start3A_654 = tpu.memref_squeeze %dma_start3A_653 : memref<1x128x64xf32, #tpu.memory_space<vmem>> -> memref<128x64xf32, #tpu.memory_space<vmem>>
        %dma_start3A_655 = arith.constant 0 : i32
        %dma_start3A_656 = tpu.memref_slice %arg5[%dma_start3A_647, %dma_start3A_648, %dma_start3A_655] : memref<2x4x200xi32, #tpu.memory_space<vmem>> -> memref<1x1x128xi32, #tpu.memory_space<vmem>>
        %dma_start3A_657 = tpu.memref_squeeze %dma_start3A_656 : memref<1x1x128xi32, #tpu.memory_space<vmem>> -> memref<128xi32, #tpu.memory_space<vmem>>
        %dma_start3A_658 = arith.constant 0 : i32
        %dma_start3A_659 = arith.constant 0 : i32
        %dma_start3A_660 = tpu.memref_slice %arg3[%dma_start3A_658, %dma_start3A_659] : memref<1000000x64xf32, #tpu.memory_space<hbm>> -> memref<1000000x64xf32, #tpu.memory_space<hbm>>
        %dma_start3A_661 = tpu.memref_slice %arg8[%dma_start3A_650] : memref<2x!tpu.dma_semaphore, #tpu.memory_space<semaphore_mem>> -> memref<1x!tpu.dma_semaphore, #tpu.memory_space<semaphore_mem>>
        %dma_start3A_662 = tpu.memref_squeeze %dma_start3A_661 : memref<1x!tpu.dma_semaphore, #tpu.memory_space<semaphore_mem>> -> memref<!tpu.dma_semaphore, #tpu.memory_space<semaphore_mem>>
        tpu.enqueue_indirect_dma source(%dma_start3A_660 : memref<1000000x64xf32, #tpu.memory_space<hbm>>) target(%dma_start3A_654 : memref<128x64xf32, #tpu.memory_space<vmem>>) offsets(%dma_start3A_657 : memref<128xi32, #tpu.memory_space<vmem>>) semaphore(%dma_start3A_662 : memref<!tpu.dma_semaphore, #tpu.memory_space<semaphore_mem>>)
        %dma_start3A_663 = arith.constant 0 : i32
        %dma_start3A_664 = arith.constant 2 : i32
        %dma_start3A_665 = arith.constant 0 : i32
        %dma_start3A_666 = arith.constant 0 : i32
        %dma_start3A_667 = arith.constant 528 : i32
        %dma_start3A_668 = arith.constant 0 : i32
        %dma_start3A_669 = tpu.memref_slice %arg6[%dma_start3A_665, %dma_start3A_667, %dma_start3A_668] : memref<2x800x64xf32, #tpu.memory_space<vmem>> -> memref<1x72x64xf32, #tpu.memory_space<vmem>>
        %dma_start3A_670 = tpu.memref_squeeze %dma_start3A_669 : memref<1x72x64xf32, #tpu.memory_space<vmem>> -> memref<72x64xf32, #tpu.memory_space<vmem>>
        %dma_start3A_671 = arith.constant 128 : i32
        %dma_start3A_672 = tpu.memref_slice %arg5[%dma_start3A_663, %dma_start3A_664, %dma_start3A_671] : memref<2x4x200xi32, #tpu.memory_space<vmem>> -> memref<1x1x72xi32, #tpu.memory_space<vmem>>
        %dma_start3A_673 = tpu.memref_squeeze %dma_start3A_672 : memref<1x1x72xi32, #tpu.memory_space<vmem>> -> memref<72xi32, #tpu.memory_space<vmem>>
        %dma_start3A_674 = arith.constant 0 : i32
        %dma_start3A_675 = arith.constant 0 : i32
        %dma_start3A_676 = tpu.memref_slice %arg3[%dma_start3A_674, %dma_start3A_675] : memref<1000000x64xf32, #tpu.memory_space<hbm>> -> memref<1000000x64xf32, #tpu.memory_space<hbm>>
        %dma_start3A_677 = tpu.memref_slice %arg8[%dma_start3A_666] : memref<2x!tpu.dma_semaphore, #tpu.memory_space<semaphore_mem>> -> memref<1x!tpu.dma_semaphore, #tpu.memory_space<semaphore_mem>>
        %dma_start3A_678 = tpu.memref_squeeze %dma_start3A_677 : memref<1x!tpu.dma_semaphore, #tpu.memory_space<semaphore_mem>> -> memref<!tpu.dma_semaphore, #tpu.memory_space<semaphore_mem>>
        tpu.enqueue_indirect_dma source(%dma_start3A_676 : memref<1000000x64xf32, #tpu.memory_space<hbm>>) target(%dma_start3A_670 : memref<72x64xf32, #tpu.memory_space<vmem>>) offsets(%dma_start3A_673 : memref<72xi32, #tpu.memory_space<vmem>>) semaphore(%dma_start3A_678 : memref<!tpu.dma_semaphore, #tpu.memory_space<semaphore_mem>>)
        %dma_start3A_679 = arith.constant 0 : i32
        %dma_start3A_680 = arith.constant 3 : i32
        %dma_start3A_681 = arith.constant 0 : i32
        %dma_start3A_682 = arith.constant 0 : i32
        %dma_start3A_683 = arith.constant 600 : i32
        %dma_start3A_684 = arith.constant 0 : i32
        %dma_start3A_685 = tpu.memref_slice %arg6[%dma_start3A_681, %dma_start3A_683, %dma_start3A_684] : memref<2x800x64xf32, #tpu.memory_space<vmem>> -> memref<1x128x64xf32, #tpu.memory_space<vmem>>
        %dma_start3A_686 = tpu.memref_squeeze %dma_start3A_685 : memref<1x128x64xf32, #tpu.memory_space<vmem>> -> memref<128x64xf32, #tpu.memory_space<vmem>>
        %dma_start3A_687 = arith.constant 0 : i32
        %dma_start3A_688 = tpu.memref_slice %arg5[%dma_start3A_679, %dma_start3A_680, %dma_start3A_687] : memref<2x4x200xi32, #tpu.memory_space<vmem>> -> memref<1x1x128xi32, #tpu.memory_space<vmem>>
        %dma_start3A_689 = tpu.memref_squeeze %dma_start3A_688 : memref<1x1x128xi32, #tpu.memory_space<vmem>> -> memref<128xi32, #tpu.memory_space<vmem>>
        %dma_start3A_690 = arith.constant 0 : i32
        %dma_start3A_691 = arith.constant 0 : i32
        %dma_start3A_692 = tpu.memref_slice %arg3[%dma_start3A_690, %dma_start3A_691] : memref<1000000x64xf32, #tpu.memory_space<hbm>> -> memref<1000000x64xf32, #tpu.memory_space<hbm>>
        %dma_start3A_693 = tpu.memref_slice %arg8[%dma_start3A_682] : memref<2x!tpu.dma_semaphore, #tpu.memory_space<semaphore_mem>> -> memref<1x!tpu.dma_semaphore, #tpu.memory_space<semaphore_mem>>
        %dma_start3A_694 = tpu.memref_squeeze %dma_start3A_693 : memref<1x!tpu.dma_semaphore, #tpu.memory_space<semaphore_mem>> -> memref<!tpu.dma_semaphore, #tpu.memory_space<semaphore_mem>>
        tpu.enqueue_indirect_dma source(%dma_start3A_692 : memref<1000000x64xf32, #tpu.memory_space<hbm>>) target(%dma_start3A_686 : memref<128x64xf32, #tpu.memory_space<vmem>>) offsets(%dma_start3A_689 : memref<128xi32, #tpu.memory_space<vmem>>) semaphore(%dma_start3A_694 : memref<!tpu.dma_semaphore, #tpu.memory_space<semaphore_mem>>)
        %dma_start3A_695 = arith.constant 0 : i32
        %dma_start3A_696 = arith.constant 3 : i32
        %dma_start3A_697 = arith.constant 0 : i32
        %dma_start3A_698 = arith.constant 0 : i32
        %dma_start3A_699 = arith.constant 728 : i32
        %dma_start3A_700 = arith.constant 0 : i32
        %dma_start3A_701 = tpu.memref_slice %arg6[%dma_start3A_697, %dma_start3A_699, %dma_start3A_700] : memref<2x800x64xf32, #tpu.memory_space<vmem>> -> memref<1x72x64xf32, #tpu.memory_space<vmem>>
        %dma_start3A_702 = tpu.memref_squeeze %dma_start3A_701 : memref<1x72x64xf32, #tpu.memory_space<vmem>> -> memref<72x64xf32, #tpu.memory_space<vmem>>
        %dma_start3A_703 = arith.constant 128 : i32
        %dma_start3A_704 = tpu.memref_slice %arg5[%dma_start3A_695, %dma_start3A_696, %dma_start3A_703] : memref<2x4x200xi32, #tpu.memory_space<vmem>> -> memref<1x1x72xi32, #tpu.memory_space<vmem>>
        %dma_start3A_705 = tpu.memref_squeeze %dma_start3A_704 : memref<1x1x72xi32, #tpu.memory_space<vmem>> -> memref<72xi32, #tpu.memory_space<vmem>>
        %dma_start3A_706 = arith.constant 0 : i32
        %dma_start3A_707 = arith.constant 0 : i32
        %dma_start3A_708 = tpu.memref_slice %arg3[%dma_start3A_706, %dma_start3A_707] : memref<1000000x64xf32, #tpu.memory_space<hbm>> -> memref<1000000x64xf32, #tpu.memory_space<hbm>>
        %dma_start3A_709 = tpu.memref_slice %arg8[%dma_start3A_698] : memref<2x!tpu.dma_semaphore, #tpu.memory_space<semaphore_mem>> -> memref<1x!tpu.dma_semaphore, #tpu.memory_space<semaphore_mem>>
        %dma_start3A_710 = tpu.memref_squeeze %dma_start3A_709 : memref<1x!tpu.dma_semaphore, #tpu.memory_space<semaphore_mem>> -> memref<!tpu.dma_semaphore, #tpu.memory_space<semaphore_mem>>
        tpu.enqueue_indirect_dma source(%dma_start3A_708 : memref<1000000x64xf32, #tpu.memory_space<hbm>>) target(%dma_start3A_702 : memref<72x64xf32, #tpu.memory_space<vmem>>) offsets(%dma_start3A_705 : memref<72xi32, #tpu.memory_space<vmem>>) semaphore(%dma_start3A_710 : memref<!tpu.dma_semaphore, #tpu.memory_space<semaphore_mem>>)
      } else {
      }
      %dma_wait3A_402 = arith.constant 1 : i32
      %dma_wait3A_403 = arith.constant 0 : i32
      %dma_wait3A_404 = arith.constant 1 : i32
      %dma_wait3A_405 = arith.constant 1 : i32
      %dma_wait3A_406 = arith.constant 0 : i32
      %dma_wait3A_407 = arith.constant 0 : i32
      %dma_wait3A_408 = tpu.memref_slice %arg6[%dma_wait3A_404, %dma_wait3A_406, %dma_wait3A_407] : memref<2x800x64xf32, #tpu.memory_space<vmem>> -> memref<1x128x64xf32, #tpu.memory_space<vmem>>
      %dma_wait3A_409 = tpu.memref_squeeze %dma_wait3A_408 : memref<1x128x64xf32, #tpu.memory_space<vmem>> -> memref<128x64xf32, #tpu.memory_space<vmem>>
      %dma_wait3A_410 = arith.constant 0 : i32
      %dma_wait3A_411 = tpu.memref_slice %arg5[%dma_wait3A_402, %dma_wait3A_403, %dma_wait3A_410] : memref<2x4x200xi32, #tpu.memory_space<vmem>> -> memref<1x1x128xi32, #tpu.memory_space<vmem>>
      %dma_wait3A_412 = tpu.memref_squeeze %dma_wait3A_411 : memref<1x1x128xi32, #tpu.memory_space<vmem>> -> memref<128xi32, #tpu.memory_space<vmem>>
      %dma_wait3A_413 = arith.constant 0 : i32
      %dma_wait3A_414 = arith.constant 0 : i32
      %dma_wait3A_415 = tpu.memref_slice %arg3[%dma_wait3A_413, %dma_wait3A_414] : memref<1000000x64xf32, #tpu.memory_space<hbm>> -> memref<1000000x64xf32, #tpu.memory_space<hbm>>
      %dma_wait3A_416 = tpu.memref_slice %arg8[%dma_wait3A_405] : memref<2x!tpu.dma_semaphore, #tpu.memory_space<semaphore_mem>> -> memref<1x!tpu.dma_semaphore, #tpu.memory_space<semaphore_mem>>
      %dma_wait3A_417 = tpu.memref_squeeze %dma_wait3A_416 : memref<1x!tpu.dma_semaphore, #tpu.memory_space<semaphore_mem>> -> memref<!tpu.dma_semaphore, #tpu.memory_space<semaphore_mem>>
      tpu.wait_indirect_dma semaphore(%dma_wait3A_417 : memref<!tpu.dma_semaphore, #tpu.memory_space<semaphore_mem>>) src(%dma_wait3A_415 : memref<1000000x64xf32, #tpu.memory_space<hbm>>) dst(%dma_wait3A_409 : memref<128x64xf32, #tpu.memory_space<vmem>>)
      %dma_wait3A_418 = arith.constant 1 : i32
      %dma_wait3A_419 = arith.constant 0 : i32
      %dma_wait3A_420 = arith.constant 1 : i32
      %dma_wait3A_421 = arith.constant 1 : i32
      %dma_wait3A_422 = arith.constant 128 : i32
      %dma_wait3A_423 = arith.constant 0 : i32
      %dma_wait3A_424 = tpu.memref_slice %arg6[%dma_wait3A_420, %dma_wait3A_422, %dma_wait3A_423] : memref<2x800x64xf32, #tpu.memory_space<vmem>> -> memref<1x72x64xf32, #tpu.memory_space<vmem>>
      %dma_wait3A_425 = tpu.memref_squeeze %dma_wait3A_424 : memref<1x72x64xf32, #tpu.memory_space<vmem>> -> memref<72x64xf32, #tpu.memory_space<vmem>>
      %dma_wait3A_426 = arith.constant 128 : i32
      %dma_wait3A_427 = tpu.memref_slice %arg5[%dma_wait3A_418, %dma_wait3A_419, %dma_wait3A_426] : memref<2x4x200xi32, #tpu.memory_space<vmem>> -> memref<1x1x72xi32, #tpu.memory_space<vmem>>
      %dma_wait3A_428 = tpu.memref_squeeze %dma_wait3A_427 : memref<1x1x72xi32, #tpu.memory_space<vmem>> -> memref<72xi32, #tpu.memory_space<vmem>>
      %dma_wait3A_429 = arith.constant 0 : i32
      %dma_wait3A_430 = arith.constant 0 : i32
      %dma_wait3A_431 = tpu.memref_slice %arg3[%dma_wait3A_429, %dma_wait3A_430] : memref<1000000x64xf32, #tpu.memory_space<hbm>> -> memref<1000000x64xf32, #tpu.memory_space<hbm>>
      %dma_wait3A_432 = tpu.memref_slice %arg8[%dma_wait3A_421] : memref<2x!tpu.dma_semaphore, #tpu.memory_space<semaphore_mem>> -> memref<1x!tpu.dma_semaphore, #tpu.memory_space<semaphore_mem>>
      %dma_wait3A_433 = tpu.memref_squeeze %dma_wait3A_432 : memref<1x!tpu.dma_semaphore, #tpu.memory_space<semaphore_mem>> -> memref<!tpu.dma_semaphore, #tpu.memory_space<semaphore_mem>>
      tpu.wait_indirect_dma semaphore(%dma_wait3A_433 : memref<!tpu.dma_semaphore, #tpu.memory_space<semaphore_mem>>) src(%dma_wait3A_431 : memref<1000000x64xf32, #tpu.memory_space<hbm>>) dst(%dma_wait3A_425 : memref<72x64xf32, #tpu.memory_space<vmem>>)
      %dma_wait3A_434 = arith.constant 1 : i32
      %dma_wait3A_435 = arith.constant 1 : i32
      %dma_wait3A_436 = arith.constant 1 : i32
      %dma_wait3A_437 = arith.constant 1 : i32
      %dma_wait3A_438 = arith.constant 200 : i32
      %dma_wait3A_439 = arith.constant 0 : i32
      %dma_wait3A_440 = tpu.memref_slice %arg6[%dma_wait3A_436, %dma_wait3A_438, %dma_wait3A_439] : memref<2x800x64xf32, #tpu.memory_space<vmem>> -> memref<1x128x64xf32, #tpu.memory_space<vmem>>
      %dma_wait3A_441 = tpu.memref_squeeze %dma_wait3A_440 : memref<1x128x64xf32, #tpu.memory_space<vmem>> -> memref<128x64xf32, #tpu.memory_space<vmem>>
      %dma_wait3A_442 = arith.constant 0 : i32
      %dma_wait3A_443 = tpu.memref_slice %arg5[%dma_wait3A_434, %dma_wait3A_435, %dma_wait3A_442] : memref<2x4x200xi32, #tpu.memory_space<vmem>> -> memref<1x1x128xi32, #tpu.memory_space<vmem>>
      %dma_wait3A_444 = tpu.memref_squeeze %dma_wait3A_443 : memref<1x1x128xi32, #tpu.memory_space<vmem>> -> memref<128xi32, #tpu.memory_space<vmem>>
      %dma_wait3A_445 = arith.constant 0 : i32
      %dma_wait3A_446 = arith.constant 0 : i32
      %dma_wait3A_447 = tpu.memref_slice %arg3[%dma_wait3A_445, %dma_wait3A_446] : memref<1000000x64xf32, #tpu.memory_space<hbm>> -> memref<1000000x64xf32, #tpu.memory_space<hbm>>
      %dma_wait3A_448 = tpu.memref_slice %arg8[%dma_wait3A_437] : memref<2x!tpu.dma_semaphore, #tpu.memory_space<semaphore_mem>> -> memref<1x!tpu.dma_semaphore, #tpu.memory_space<semaphore_mem>>
      %dma_wait3A_449 = tpu.memref_squeeze %dma_wait3A_448 : memref<1x!tpu.dma_semaphore, #tpu.memory_space<semaphore_mem>> -> memref<!tpu.dma_semaphore, #tpu.memory_space<semaphore_mem>>
      tpu.wait_indirect_dma semaphore(%dma_wait3A_449 : memref<!tpu.dma_semaphore, #tpu.memory_space<semaphore_mem>>) src(%dma_wait3A_447 : memref<1000000x64xf32, #tpu.memory_space<hbm>>) dst(%dma_wait3A_441 : memref<128x64xf32, #tpu.memory_space<vmem>>)
      %dma_wait3A_450 = arith.constant 1 : i32
      %dma_wait3A_451 = arith.constant 1 : i32
      %dma_wait3A_452 = arith.constant 1 : i32
      %dma_wait3A_453 = arith.constant 1 : i32
      %dma_wait3A_454 = arith.constant 328 : i32
      %dma_wait3A_455 = arith.constant 0 : i32
      %dma_wait3A_456 = tpu.memref_slice %arg6[%dma_wait3A_452, %dma_wait3A_454, %dma_wait3A_455] : memref<2x800x64xf32, #tpu.memory_space<vmem>> -> memref<1x72x64xf32, #tpu.memory_space<vmem>>
      %dma_wait3A_457 = tpu.memref_squeeze %dma_wait3A_456 : memref<1x72x64xf32, #tpu.memory_space<vmem>> -> memref<72x64xf32, #tpu.memory_space<vmem>>
      %dma_wait3A_458 = arith.constant 128 : i32
      %dma_wait3A_459 = tpu.memref_slice %arg5[%dma_wait3A_450, %dma_wait3A_451, %dma_wait3A_458] : memref<2x4x200xi32, #tpu.memory_space<vmem>> -> memref<1x1x72xi32, #tpu.memory_space<vmem>>
      %dma_wait3A_460 = tpu.memref_squeeze %dma_wait3A_459 : memref<1x1x72xi32, #tpu.memory_space<vmem>> -> memref<72xi32, #tpu.memory_space<vmem>>
      %dma_wait3A_461 = arith.constant 0 : i32
      %dma_wait3A_462 = arith.constant 0 : i32
      %dma_wait3A_463 = tpu.memref_slice %arg3[%dma_wait3A_461, %dma_wait3A_462] : memref<1000000x64xf32, #tpu.memory_space<hbm>> -> memref<1000000x64xf32, #tpu.memory_space<hbm>>
      %dma_wait3A_464 = tpu.memref_slice %arg8[%dma_wait3A_453] : memref<2x!tpu.dma_semaphore, #tpu.memory_space<semaphore_mem>> -> memref<1x!tpu.dma_semaphore, #tpu.memory_space<semaphore_mem>>
      %dma_wait3A_465 = tpu.memref_squeeze %dma_wait3A_464 : memref<1x!tpu.dma_semaphore, #tpu.memory_space<semaphore_mem>> -> memref<!tpu.dma_semaphore, #tpu.memory_space<semaphore_mem>>
      tpu.wait_indirect_dma semaphore(%dma_wait3A_465 : memref<!tpu.dma_semaphore, #tpu.memory_space<semaphore_mem>>) src(%dma_wait3A_463 : memref<1000000x64xf32, #tpu.memory_space<hbm>>) dst(%dma_wait3A_457 : memref<72x64xf32, #tpu.memory_space<vmem>>)
      %dma_wait3A_466 = arith.constant 1 : i32
      %dma_wait3A_467 = arith.constant 2 : i32
      %dma_wait3A_468 = arith.constant 1 : i32
      %dma_wait3A_469 = arith.constant 1 : i32
      %dma_wait3A_470 = arith.constant 400 : i32
      %dma_wait3A_471 = arith.constant 0 : i32
      %dma_wait3A_472 = tpu.memref_slice %arg6[%dma_wait3A_468, %dma_wait3A_470, %dma_wait3A_471] : memref<2x800x64xf32, #tpu.memory_space<vmem>> -> memref<1x128x64xf32, #tpu.memory_space<vmem>>
      %dma_wait3A_473 = tpu.memref_squeeze %dma_wait3A_472 : memref<1x128x64xf32, #tpu.memory_space<vmem>> -> memref<128x64xf32, #tpu.memory_space<vmem>>
      %dma_wait3A_474 = arith.constant 0 : i32
      %dma_wait3A_475 = tpu.memref_slice %arg5[%dma_wait3A_466, %dma_wait3A_467, %dma_wait3A_474] : memref<2x4x200xi32, #tpu.memory_space<vmem>> -> memref<1x1x128xi32, #tpu.memory_space<vmem>>
      %dma_wait3A_476 = tpu.memref_squeeze %dma_wait3A_475 : memref<1x1x128xi32, #tpu.memory_space<vmem>> -> memref<128xi32, #tpu.memory_space<vmem>>
      %dma_wait3A_477 = arith.constant 0 : i32
      %dma_wait3A_478 = arith.constant 0 : i32
      %dma_wait3A_479 = tpu.memref_slice %arg3[%dma_wait3A_477, %dma_wait3A_478] : memref<1000000x64xf32, #tpu.memory_space<hbm>> -> memref<1000000x64xf32, #tpu.memory_space<hbm>>
      %dma_wait3A_480 = tpu.memref_slice %arg8[%dma_wait3A_469] : memref<2x!tpu.dma_semaphore, #tpu.memory_space<semaphore_mem>> -> memref<1x!tpu.dma_semaphore, #tpu.memory_space<semaphore_mem>>
      %dma_wait3A_481 = tpu.memref_squeeze %dma_wait3A_480 : memref<1x!tpu.dma_semaphore, #tpu.memory_space<semaphore_mem>> -> memref<!tpu.dma_semaphore, #tpu.memory_space<semaphore_mem>>
      tpu.wait_indirect_dma semaphore(%dma_wait3A_481 : memref<!tpu.dma_semaphore, #tpu.memory_space<semaphore_mem>>) src(%dma_wait3A_479 : memref<1000000x64xf32, #tpu.memory_space<hbm>>) dst(%dma_wait3A_473 : memref<128x64xf32, #tpu.memory_space<vmem>>)
      %dma_wait3A_482 = arith.constant 1 : i32
      %dma_wait3A_483 = arith.constant 2 : i32
      %dma_wait3A_484 = arith.constant 1 : i32
      %dma_wait3A_485 = arith.constant 1 : i32
      %dma_wait3A_486 = arith.constant 528 : i32
      %dma_wait3A_487 = arith.constant 0 : i32
      %dma_wait3A_488 = tpu.memref_slice %arg6[%dma_wait3A_484, %dma_wait3A_486, %dma_wait3A_487] : memref<2x800x64xf32, #tpu.memory_space<vmem>> -> memref<1x72x64xf32, #tpu.memory_space<vmem>>
      %dma_wait3A_489 = tpu.memref_squeeze %dma_wait3A_488 : memref<1x72x64xf32, #tpu.memory_space<vmem>> -> memref<72x64xf32, #tpu.memory_space<vmem>>
      %dma_wait3A_490 = arith.constant 128 : i32
      %dma_wait3A_491 = tpu.memref_slice %arg5[%dma_wait3A_482, %dma_wait3A_483, %dma_wait3A_490] : memref<2x4x200xi32, #tpu.memory_space<vmem>> -> memref<1x1x72xi32, #tpu.memory_space<vmem>>
      %dma_wait3A_492 = tpu.memref_squeeze %dma_wait3A_491 : memref<1x1x72xi32, #tpu.memory_space<vmem>> -> memref<72xi32, #tpu.memory_space<vmem>>
      %dma_wait3A_493 = arith.constant 0 : i32
      %dma_wait3A_494 = arith.constant 0 : i32
      %dma_wait3A_495 = tpu.memref_slice %arg3[%dma_wait3A_493, %dma_wait3A_494] : memref<1000000x64xf32, #tpu.memory_space<hbm>> -> memref<1000000x64xf32, #tpu.memory_space<hbm>>
      %dma_wait3A_496 = tpu.memref_slice %arg8[%dma_wait3A_485] : memref<2x!tpu.dma_semaphore, #tpu.memory_space<semaphore_mem>> -> memref<1x!tpu.dma_semaphore, #tpu.memory_space<semaphore_mem>>
      %dma_wait3A_497 = tpu.memref_squeeze %dma_wait3A_496 : memref<1x!tpu.dma_semaphore, #tpu.memory_space<semaphore_mem>> -> memref<!tpu.dma_semaphore, #tpu.memory_space<semaphore_mem>>
      tpu.wait_indirect_dma semaphore(%dma_wait3A_497 : memref<!tpu.dma_semaphore, #tpu.memory_space<semaphore_mem>>) src(%dma_wait3A_495 : memref<1000000x64xf32, #tpu.memory_space<hbm>>) dst(%dma_wait3A_489 : memref<72x64xf32, #tpu.memory_space<vmem>>)
      %dma_wait3A_498 = arith.constant 1 : i32
      %dma_wait3A_499 = arith.constant 3 : i32
      %dma_wait3A_500 = arith.constant 1 : i32
      %dma_wait3A_501 = arith.constant 1 : i32
      %dma_wait3A_502 = arith.constant 600 : i32
      %dma_wait3A_503 = arith.constant 0 : i32
      %dma_wait3A_504 = tpu.memref_slice %arg6[%dma_wait3A_500, %dma_wait3A_502, %dma_wait3A_503] : memref<2x800x64xf32, #tpu.memory_space<vmem>> -> memref<1x128x64xf32, #tpu.memory_space<vmem>>
      %dma_wait3A_505 = tpu.memref_squeeze %dma_wait3A_504 : memref<1x128x64xf32, #tpu.memory_space<vmem>> -> memref<128x64xf32, #tpu.memory_space<vmem>>
      %dma_wait3A_506 = arith.constant 0 : i32
      %dma_wait3A_507 = tpu.memref_slice %arg5[%dma_wait3A_498, %dma_wait3A_499, %dma_wait3A_506] : memref<2x4x200xi32, #tpu.memory_space<vmem>> -> memref<1x1x128xi32, #tpu.memory_space<vmem>>
      %dma_wait3A_508 = tpu.memref_squeeze %dma_wait3A_507 : memref<1x1x128xi32, #tpu.memory_space<vmem>> -> memref<128xi32, #tpu.memory_space<vmem>>
      %dma_wait3A_509 = arith.constant 0 : i32
      %dma_wait3A_510 = arith.constant 0 : i32
      %dma_wait3A_511 = tpu.memref_slice %arg3[%dma_wait3A_509, %dma_wait3A_510] : memref<1000000x64xf32, #tpu.memory_space<hbm>> -> memref<1000000x64xf32, #tpu.memory_space<hbm>>
      %dma_wait3A_512 = tpu.memref_slice %arg8[%dma_wait3A_501] : memref<2x!tpu.dma_semaphore, #tpu.memory_space<semaphore_mem>> -> memref<1x!tpu.dma_semaphore, #tpu.memory_space<semaphore_mem>>
      %dma_wait3A_513 = tpu.memref_squeeze %dma_wait3A_512 : memref<1x!tpu.dma_semaphore, #tpu.memory_space<semaphore_mem>> -> memref<!tpu.dma_semaphore, #tpu.memory_space<semaphore_mem>>
      tpu.wait_indirect_dma semaphore(%dma_wait3A_513 : memref<!tpu.dma_semaphore, #tpu.memory_space<semaphore_mem>>) src(%dma_wait3A_511 : memref<1000000x64xf32, #tpu.memory_space<hbm>>) dst(%dma_wait3A_505 : memref<128x64xf32, #tpu.memory_space<vmem>>)
      %dma_wait3A_514 = arith.constant 1 : i32
      %dma_wait3A_515 = arith.constant 3 : i32
      %dma_wait3A_516 = arith.constant 1 : i32
      %dma_wait3A_517 = arith.constant 1 : i32
      %dma_wait3A_518 = arith.constant 728 : i32
      %dma_wait3A_519 = arith.constant 0 : i32
      %dma_wait3A_520 = tpu.memref_slice %arg6[%dma_wait3A_516, %dma_wait3A_518, %dma_wait3A_519] : memref<2x800x64xf32, #tpu.memory_space<vmem>> -> memref<1x72x64xf32, #tpu.memory_space<vmem>>
      %dma_wait3A_521 = tpu.memref_squeeze %dma_wait3A_520 : memref<1x72x64xf32, #tpu.memory_space<vmem>> -> memref<72x64xf32, #tpu.memory_space<vmem>>
      %dma_wait3A_522 = arith.constant 128 : i32
      %dma_wait3A_523 = tpu.memref_slice %arg5[%dma_wait3A_514, %dma_wait3A_515, %dma_wait3A_522] : memref<2x4x200xi32, #tpu.memory_space<vmem>> -> memref<1x1x72xi32, #tpu.memory_space<vmem>>
      %dma_wait3A_524 = tpu.memref_squeeze %dma_wait3A_523 : memref<1x1x72xi32, #tpu.memory_space<vmem>> -> memref<72xi32, #tpu.memory_space<vmem>>
      %dma_wait3A_525 = arith.constant 0 : i32
      %dma_wait3A_526 = arith.constant 0 : i32
      %dma_wait3A_527 = tpu.memref_slice %arg3[%dma_wait3A_525, %dma_wait3A_526] : memref<1000000x64xf32, #tpu.memory_space<hbm>> -> memref<1000000x64xf32, #tpu.memory_space<hbm>>
      %dma_wait3A_528 = tpu.memref_slice %arg8[%dma_wait3A_517] : memref<2x!tpu.dma_semaphore, #tpu.memory_space<semaphore_mem>> -> memref<1x!tpu.dma_semaphore, #tpu.memory_space<semaphore_mem>>
      %dma_wait3A_529 = tpu.memref_squeeze %dma_wait3A_528 : memref<1x!tpu.dma_semaphore, #tpu.memory_space<semaphore_mem>> -> memref<!tpu.dma_semaphore, #tpu.memory_space<semaphore_mem>>
      tpu.wait_indirect_dma semaphore(%dma_wait3A_529 : memref<!tpu.dma_semaphore, #tpu.memory_space<semaphore_mem>>) src(%dma_wait3A_527 : memref<1000000x64xf32, #tpu.memory_space<hbm>>) dst(%dma_wait3A_521 : memref<72x64xf32, #tpu.memory_space<vmem>>)
      %mul3A_530 = arith.constant 4 : i32
      %mul3A_531 = arith.muli %add3A_394, %mul3A_530 : i32
      %add3A_532 = arith.addi %mul3A_2, %mul3A_531 : i32
      %mul3A_533 = arith.constant 200 : i32
      %mul3A_534 = arith.muli %add3A_532, %mul3A_533 : i32
      %dma_start3A_535 = arith.constant 1 : i32
      %dma_start3A_536 = arith.constant 1 : i32
      %dma_start3A_537 = arith.constant 0 : i32
      %dma_start3A_538 = arith.constant 0 : i32
      %dma_start3A_539 = tpu.memref_slice %arg6[%dma_start3A_535, %dma_start3A_537, %dma_start3A_538] : memref<2x800x64xf32, #tpu.memory_space<vmem>> -> memref<1x800x64xf32, #tpu.memory_space<vmem>>
      %dma_start3A_540 = tpu.memref_squeeze %dma_start3A_539 : memref<1x800x64xf32, #tpu.memory_space<vmem>> -> memref<800x64xf32, #tpu.memory_space<vmem>>
      %dma_start3A_541 = arith.constant 0 : i32
      %dma_start3A_542 = tpu.memref_slice %arg4[%mul3A_534, %dma_start3A_541] : memref<819200x128xf32, #tpu.memory_space<hbm>> -> memref<800x64xf32, #tpu.memory_space<hbm>>
      %dma_start3A_543 = tpu.memref_slice %arg9[%dma_start3A_536] : memref<2x!tpu.dma_semaphore, #tpu.memory_space<semaphore_mem>> -> memref<1x!tpu.dma_semaphore, #tpu.memory_space<semaphore_mem>>
      %dma_start3A_544 = tpu.memref_squeeze %dma_start3A_543 : memref<1x!tpu.dma_semaphore, #tpu.memory_space<semaphore_mem>> -> memref<!tpu.dma_semaphore, #tpu.memory_space<semaphore_mem>>
      %dma_start3A_545 = arith.constant 0 : i32
      %dma_start3A_546 = tpu.memref_slice %arg4[%mul3A_534, %dma_start3A_545] : memref<819200x128xf32, #tpu.memory_space<hbm>> -> memref<800x64xf32, #tpu.memory_space<hbm>>
      %dma_start3A_547 = arith.constant 0 : i32
      %dma_start3A_548 = arith.constant 0 : i32
      %dma_start3A_549 = tpu.memref_slice %arg6[%dma_start3A_535, %dma_start3A_547, %dma_start3A_548] : memref<2x800x64xf32, #tpu.memory_space<vmem>> -> memref<1x800x64xf32, #tpu.memory_space<vmem>>
      %dma_start3A_550 = tpu.memref_squeeze %dma_start3A_549 : memref<1x800x64xf32, #tpu.memory_space<vmem>> -> memref<800x64xf32, #tpu.memory_space<vmem>>
      tpu.enqueue_dma source(%dma_start3A_550 : memref<800x64xf32, #tpu.memory_space<vmem>>) target(%dma_start3A_546 : memref<800x64xf32, #tpu.memory_space<hbm>>) target_semaphore(%dma_start3A_544 : memref<!tpu.dma_semaphore, #tpu.memory_space<semaphore_mem>>)
      %add3A_551 = arith.constant 2 : i32
      %add3A_552 = arith.addi %add3A_394, %add3A_551 : i32
      %lt3A_553 = arith.constant 32 : i32
      %lt3A_554 = arith.cmpi slt, %add3A_552, %lt3A_553 : i32
      %convert_element_type3A_555 = arith.extui %lt3A_554 : i1 to i32
      %cond3A_556 = arith.constant 0 : i32
      %cond3A_557 = arith.cmpi ne, %convert_element_type3A_555, %cond3A_556 : i32
      scf.if %cond3A_557 {
        %add3A_558 = arith.constant 2 : i32
        %add3A_559 = arith.addi %add3A_394, %add3A_558 : i32
        %mul3A_560 = arith.constant 4 : i32
        %mul3A_561 = arith.muli %add3A_559, %mul3A_560 : i32
        %add3A_562 = arith.addi %mul3A_2, %mul3A_561 : i32
        %dma_start3A_563 = arith.constant 1 : i32
        %dma_start3A_564 = arith.constant 1 : i32
        %dma_start3A_565 = arith.constant 0 : i32
        %dma_start3A_566 = arith.constant 0 : i32
        %dma_start3A_567 = tpu.memref_slice %arg5[%dma_start3A_563, %dma_start3A_565, %dma_start3A_566] : memref<2x4x200xi32, #tpu.memory_space<vmem>> -> memref<1x4x200xi32, #tpu.memory_space<vmem>>
        %dma_start3A_568 = tpu.memref_squeeze %dma_start3A_567 : memref<1x4x200xi32, #tpu.memory_space<vmem>> -> memref<4x200xi32, #tpu.memory_space<vmem>>
        %dma_start3A_569 = arith.constant 0 : i32
        %dma_start3A_570 = tpu.memref_slice %arg2[%add3A_562, %dma_start3A_569] : memref<4096x200xi32, #tpu.memory_space<hbm>> -> memref<4x200xi32, #tpu.memory_space<hbm>>
        %dma_start3A_571 = tpu.memref_slice %arg7[%dma_start3A_564] : memref<2x!tpu.dma_semaphore, #tpu.memory_space<semaphore_mem>> -> memref<1x!tpu.dma_semaphore, #tpu.memory_space<semaphore_mem>>
        %dma_start3A_572 = tpu.memref_squeeze %dma_start3A_571 : memref<1x!tpu.dma_semaphore, #tpu.memory_space<semaphore_mem>> -> memref<!tpu.dma_semaphore, #tpu.memory_space<semaphore_mem>>
        %dma_start3A_573 = arith.constant 0 : i32
        %dma_start3A_574 = arith.constant 0 : i32
        %dma_start3A_575 = tpu.memref_slice %arg5[%dma_start3A_563, %dma_start3A_573, %dma_start3A_574] : memref<2x4x200xi32, #tpu.memory_space<vmem>> -> memref<1x4x200xi32, #tpu.memory_space<vmem>>
        %dma_start3A_576 = tpu.memref_squeeze %dma_start3A_575 : memref<1x4x200xi32, #tpu.memory_space<vmem>> -> memref<4x200xi32, #tpu.memory_space<vmem>>
        %dma_start3A_577 = arith.constant 0 : i32
        %dma_start3A_578 = tpu.memref_slice %arg2[%add3A_562, %dma_start3A_577] : memref<4096x200xi32, #tpu.memory_space<hbm>> -> memref<4x200xi32, #tpu.memory_space<hbm>>
        tpu.enqueue_dma source(%dma_start3A_578 : memref<4x200xi32, #tpu.memory_space<hbm>>) target(%dma_start3A_576 : memref<4x200xi32, #tpu.memory_space<vmem>>) target_semaphore(%dma_start3A_572 : memref<!tpu.dma_semaphore, #tpu.memory_space<semaphore_mem>>)
      } else {
      }
    }
    %scan3A_187 = arith.constant 16 : i32
    %add3A_188 = arith.constant 120 : i32
    %add3A_189 = arith.addi %mul3A_2, %add3A_188 : i32
    %mul3A_190 = arith.constant 200 : i32
    %mul3A_191 = arith.muli %add3A_189, %mul3A_190 : i32
    %dma_wait3A_192 = arith.constant 0 : i32
    %dma_wait3A_193 = arith.constant 0 : i32
    %dma_wait3A_194 = arith.constant 0 : i32
    %dma_wait3A_195 = arith.constant 0 : i32
    %dma_wait3A_196 = tpu.memref_slice %arg6[%dma_wait3A_192, %dma_wait3A_194, %dma_wait3A_195] : memref<2x800x64xf32, #tpu.memory_space<vmem>> -> memref<1x800x64xf32, #tpu.memory_space<vmem>>
    %dma_wait3A_197 = tpu.memref_squeeze %dma_wait3A_196 : memref<1x800x64xf32, #tpu.memory_space<vmem>> -> memref<800x64xf32, #tpu.memory_space<vmem>>
    %dma_wait3A_198 = arith.constant 0 : i32
    %dma_wait3A_199 = tpu.memref_slice %arg4[%mul3A_191, %dma_wait3A_198] : memref<819200x128xf32, #tpu.memory_space<hbm>> -> memref<800x64xf32, #tpu.memory_space<hbm>>
    %dma_wait3A_200 = tpu.memref_slice %arg9[%dma_wait3A_193] : memref<2x!tpu.dma_semaphore, #tpu.memory_space<semaphore_mem>> -> memref<1x!tpu.dma_semaphore, #tpu.memory_space<semaphore_mem>>
    %dma_wait3A_201 = tpu.memref_squeeze %dma_wait3A_200 : memref<1x!tpu.dma_semaphore, #tpu.memory_space<semaphore_mem>> -> memref<!tpu.dma_semaphore, #tpu.memory_space<semaphore_mem>>
    %dma_wait3A_202 = arith.constant 0 : i32
    %dma_wait3A_203 = tpu.memref_slice %arg4[%mul3A_191, %dma_wait3A_202] : memref<819200x128xf32, #tpu.memory_space<hbm>> -> memref<800x64xf32, #tpu.memory_space<hbm>>
    %dma_wait3A_204 = arith.constant 0 : i32
    %dma_wait3A_205 = arith.constant 0 : i32
    %dma_wait3A_206 = tpu.memref_slice %arg6[%dma_wait3A_192, %dma_wait3A_204, %dma_wait3A_205] : memref<2x800x64xf32, #tpu.memory_space<vmem>> -> memref<1x800x64xf32, #tpu.memory_space<vmem>>
    %dma_wait3A_207 = tpu.memref_squeeze %dma_wait3A_206 : memref<1x800x64xf32, #tpu.memory_space<vmem>> -> memref<800x64xf32, #tpu.memory_space<vmem>>
    tpu.wait_dma2 semaphore(%dma_wait3A_201 : memref<!tpu.dma_semaphore, #tpu.memory_space<semaphore_mem>>) src(%dma_wait3A_207 : memref<800x64xf32, #tpu.memory_space<vmem>>) dst(%dma_wait3A_203 : memref<800x64xf32, #tpu.memory_space<hbm>>)
    %add3A_208 = arith.constant 124 : i32
    %add3A_209 = arith.addi %mul3A_2, %add3A_208 : i32
    %mul3A_210 = arith.constant 200 : i32
    %mul3A_211 = arith.muli %add3A_209, %mul3A_210 : i32
    %dma_wait3A_212 = arith.constant 1 : i32
    %dma_wait3A_213 = arith.constant 1 : i32
    %dma_wait3A_214 = arith.constant 0 : i32
    %dma_wait3A_215 = arith.constant 0 : i32
    %dma_wait3A_216 = tpu.memref_slice %arg6[%dma_wait3A_212, %dma_wait3A_214, %dma_wait3A_215] : memref<2x800x64xf32, #tpu.memory_space<vmem>> -> memref<1x800x64xf32, #tpu.memory_space<vmem>>
    %dma_wait3A_217 = tpu.memref_squeeze %dma_wait3A_216 : memref<1x800x64xf32, #tpu.memory_space<vmem>> -> memref<800x64xf32, #tpu.memory_space<vmem>>
    %dma_wait3A_218 = arith.constant 0 : i32
    %dma_wait3A_219 = tpu.memref_slice %arg4[%mul3A_211, %dma_wait3A_218] : memref<819200x128xf32, #tpu.memory_space<hbm>> -> memref<800x64xf32, #tpu.memory_space<hbm>>
    %dma_wait3A_220 = tpu.memref_slice %arg9[%dma_wait3A_213] : memref<2x!tpu.dma_semaphore, #tpu.memory_space<semaphore_mem>> -> memref<1x!tpu.dma_semaphore, #tpu.memory_space<semaphore_mem>>
    %dma_wait3A_221 = tpu.memref_squeeze %dma_wait3A_220 : memref<1x!tpu.dma_semaphore, #tpu.memory_space<semaphore_mem>> -> memref<!tpu.dma_semaphore, #tpu.memory_space<semaphore_mem>>
    %dma_wait3A_222 = arith.constant 0 : i32
    %dma_wait3A_223 = tpu.memref_slice %arg4[%mul3A_211, %dma_wait3A_222] : memref<819200x128xf32, #tpu.memory_space<hbm>> -> memref<800x64xf32, #tpu.memory_space<hbm>>
    %dma_wait3A_224 = arith.constant 0 : i32
    %dma_wait3A_225 = arith.constant 0 : i32
    %dma_wait3A_226 = tpu.memref_slice %arg6[%dma_wait3A_212, %dma_wait3A_224, %dma_wait3A_225] : memref<2x800x64xf32, #tpu.memory_space<vmem>> -> memref<1x800x64xf32, #tpu.memory_space<vmem>>
    %dma_wait3A_227 = tpu.memref_squeeze %dma_wait3A_226 : memref<1x800x64xf32, #tpu.memory_space<vmem>> -> memref<800x64xf32, #tpu.memory_space<vmem>>
    tpu.wait_dma2 semaphore(%dma_wait3A_221 : memref<!tpu.dma_semaphore, #tpu.memory_space<semaphore_mem>>) src(%dma_wait3A_227 : memref<800x64xf32, #tpu.memory_space<vmem>>) dst(%dma_wait3A_223 : memref<800x64xf32, #tpu.memory_space<hbm>>)
    return
  }
}

</mosaic_0001>

<sc_bundles>
// kernel: _sc_gather.3.cloned.1.call-start
scs
__scs_entry_jumppad:
0x0: {  	(pc) =	sbr.rel $0x88, $3  }
0x1: {  	(tag) =	ssettag $0x0;
	lr =	simm.s32 $0x1  }
0x2: {  	[smem:$0x3F9F] =	sst lr;
	_ =	strace $0xD0000000  }
0x3: {  	_ = 	snop  }
0x4: {  	_ = 	snop  }
0x5: {  	_ = 	snop  }
0x6: {  	_ = 	snop  }
0x7: {  	_ = 	snop  }
__scs_overlays_trampoline_lowered:
0x8: {  	[smem:$0x3FAE] =	sst s0  }
0x9: {  	[smem:$0x3FAF] =	sst s1  }
0xa: {  	[smem:$0x3FB0] =	sst s2  }
0xb: {  	[smem:$0x3FB1] =	sst s3  }
0xc: {  	[smem:$0x3FB2] =	sst s4  }
0xd: {  	[smem:$0x3FB3] =	sst s5  }
0xe: {  	[smem:$0x3FB4] =	sst s6  }
0xf: {  	[smem:$0x3FB5] =	sst s7  }
0x10: {  	[smem:$0x3FB6] =	sst s8  }
0x11: {  	[smem:$0x3FB7] =	sst s9;
	s0 =	simm.s32 @!p0 $0x0  }
0x12: {  	s1 =	sld [smem:$0x3F9D];
	s0 =	simm.s32 @p0 $0x1  }
0x13: {  	[smem:$0x3FB8] =	sst s0;
	s0 =	simm.s32 @!p1 $0x0  }
0x14: {  	s2 =	sld [smem:$0x3F9C];
	s0 =	simm.s32 @p1 $0x1  }
0x15: {  	[smem:$0x3FB9] =	sst s0;
	s0 =	simm.s32 @!p2 $0x0  }
0x16: {  	s3 =	sld [smem:$0x3FDB];
	s0 =	simm.s32 @p2 $0x1  }
0x17: {  	s4 =	simm.s32 $0x1BF5;
	[smem:$0x3FBB] =	sst s0  }
0x18: {  	s0 =	sld [smem:$0x3F9E];
	_ =	swait.ge [sflag:s4], $0x0  }
0x19: {  	s7 =	sld [smem:$0x3F9F]  }
0x1a: {  	s8 =	sadd.s32 $0xFFFFE003, lr  }
0x1b: {  	s9 =	sadd.s32 $0xFFFFFEF7, lr;
	s5 =	simm.s32 $0xFFFFFFFF;
	p2 =	slt.u32 s8, $0xFFFFF086  }
0x1c: {  	p1 =	slt.u32 s9, $0xF7A;
	s5 =	simm.s32 @!p2 $0x0  }
0x1d: {  	s5 =	simm.s32 @p1 $0x1;
	p0 =	seq.s32 s7, s2  }
0x1e: {  	s7 =	smul.u32 @!p0 $0xF7A, s2;
	p2 =	seq.s32 @!p0 s5, $0x0  }
0x1f: {  	s9 =	smul.u32 $0xF7A, s1;
	s8 =	simm.s32 @!p0 $0x1BF5;
	p2 =	por !p2, p0  }
0x20: {  	[sflag:s8] =	ssyncset.s32 @!p0 $0xFFFFF086;
	s6 =	sadd.s32 @!p0 s3, s7;
	s7 =	simm.s32 @!p0 $0x108  }
0x21: {  	s3 =	sadd.s32 s3, s9;
	s6 =	sadd.s32 @!p0 $0x88, s6;
	s7 =	simm.s32 @p2 $0x1082  }
0x22: {  	[simem:s7], [sflag:s8] =	dma.local @!p0 [hbm:s6], $0xF7A  }
0x23: {  	s9 =	sor.u32 $0xD0000000, s2;
	s6 =	simm.s32 $0x108;
	_ =	swait.ge @!p0 [sflag:s8], $0x0  }
0x24: {  	s3 =	sadd.s32 $0x88, s3;
	s6 =	simm.s32 @!p1 $0x1082;
	[sflag:s4] =	ssyncset.s32 $0xFFFFF086  }
0x25: {  	[simem:s6], [sflag:s4] =	dma.local [hbm:s3], $0xF7A  }
0x26: {  	[smem:$0x3F9F] =	sst s1;
	(tag) =	ssettag s2;
	_ =	strace s9  }
0x27: {  	s1 =	sld [smem:$0x3FAF]  }
0x28: {  	s2 =	sld [smem:$0x3FB0]  }
0x29: {  	s4 =	sld [smem:$0x3FB2]  }
0x2a: {  	p0 =	seq.s32 s5, $0x0;
	s5 =	sld [smem:$0x3FB3]  }
0x2b: {  	s6 =	sld [smem:$0x3FB4]  }
0x2c: {  	s7 =	sld [smem:$0x3FB5]  }
0x2d: {  	s3 =	simm.s32 $0x108;
	s8 =	sld [smem:$0x3FB6]  }
0x2e: {  	s3 =	simm.s32 @!p0 $0x1082;
	s9 =	sld [smem:$0x3FB7]  }
0x2f: {  	lr =	sadd.s32 s0, s3;
	s0 =	sld [smem:$0x3FAE]  }
0x30: {  	s3 =	sld [smem:$0x3FB1]  }
0x31: {  	[smem:$0x3FBA] =	sst s10  }
0x32: {  	s10 =	sld [smem:$0x3FB8];
	_ =	sdelay $0x3  }
0x33: {  	p0 =	seq.s32 s10, $0x1;
	s10 =	sld [smem:$0x3FBA];
	_ =	sdelay $0x3  }
0x34: {  	[smem:$0x3FBA] =	sst s10  }
0x35: {  	s10 =	sld [smem:$0x3FB9];
	_ =	sdelay $0x3  }
0x36: {  	p1 =	seq.s32 s10, $0x1;
	s10 =	sld [smem:$0x3FBA];
	_ =	sdelay $0x3  }
0x37: {  	[smem:$0x3FBA] =	sst s10  }
0x38: {  	s10 =	sld [smem:$0x3FBB]  }
0x39: {  	_ = 	snop;
	(pc) =	sbr.ind lr, $3  }
0x3a: {  	_ = 	snop  }
0x3b: {  	_ = 	snop  }
0x3c: {  	p2 =	seq.s32 s10, $0x1;
	s10 =	sld [smem:$0x3FBA]  }
0x3d: {  	_ =	shalt  }
0x3e: {  	_ =	shalt  }
0x3f: {  	_ =	shalt  }
0x40: {  	_ =	shalt  }
0x41: {  	_ =	shalt  }
0x42: {  	_ =	shalt  }
0x43: {  	_ =	shalt  }
0x44: {  	_ =	shalt  }
0x45: {  	_ =	shalt  }
0x46: {  	_ =	shalt  }
0x47: {  	_ =	shalt  }
0x48: {  	_ =	shalt  }
0x49: {  	_ =	shalt  }
0x4a: {  	_ =	shalt  }
0x4b: {  	_ =	shalt  }
0x4c: {  	_ =	shalt  }
0x4d: {  	_ =	shalt  }
0x4e: {  	_ =	shalt  }
0x4f: {  	_ =	shalt  }
0x50: {  	_ =	shalt  }
0x51: {  	_ =	shalt  }
0x52: {  	_ =	shalt  }
0x53: {  	_ =	shalt  }
0x54: {  	_ =	shalt  }
0x55: {  	_ =	shalt  }
0x56: {  	_ =	shalt  }
0x57: {  	_ =	shalt  }
0x58: {  	_ =	shalt  }
0x59: {  	_ =	shalt  }
0x5a: {  	_ =	shalt  }
0x5b: {  	_ =	shalt  }
0x5c: {  	_ =	shalt  }
0x5d: {  	_ =	shalt  }
0x5e: {  	_ =	shalt  }
0x5f: {  	_ =	shalt  }
0x60: {  	_ =	shalt  }
0x61: {  	_ =	shalt  }
0x62: {  	_ =	shalt  }
0x63: {  	_ =	shalt  }
0x64: {  	_ =	shalt  }
0x65: {  	_ =	shalt  }
0x66: {  	_ =	shalt  }
0x67: {  	_ =	shalt  }
0x68: {  	_ =	shalt  }
0x69: {  	_ =	shalt  }
0x6a: {  	_ =	shalt  }
0x6b: {  	_ =	shalt  }
0x6c: {  	_ =	shalt  }
0x6d: {  	_ =	shalt  }
0x6e: {  	_ =	shalt  }
0x6f: {  	_ =	shalt  }
0x70: {  	_ =	shalt  }
0x71: {  	_ =	shalt  }
0x72: {  	_ =	shalt  }
0x73: {  	_ =	shalt  }
0x74: {  	_ =	shalt  }
0x75: {  	_ =	shalt  }
0x76: {  	_ =	shalt  }
0x77: {  	_ =	shalt  }
0x78: {  	_ =	shalt  }
0x79: {  	_ =	shalt  }
0x7a: {  	_ =	shalt  }
0x7b: {  	_ =	shalt  }
0x7c: {  	_ =	shalt  }
0x7d: {  	_ =	shalt  }
0x7e: {  	_ =	shalt  }
0x7f: {  	_ =	shalt  }
0x80: {  	_ =	shalt  }
0x81: {  	_ =	shalt  }
0x82: {  	_ =	shalt  }
0x83: {  	_ =	shalt  }
0x84: {  	_ =	shalt  }
0x85: {  	_ =	shalt  }
0x86: {  	_ =	shalt  }
0x87: {  	_ =	shalt  }
.Lfunc_end0:
.L_simem_size_0:
called_computation_lowered:
.L_overlay_start_0:
0x88: {  	s2 =	sld [smem:$0x3FD9]  }
0x89: {  	s3 =	sld [smem:$0x3FFE];
	_ =	sdelay $0x1  }
0x8a: {  	s1 =	srdreg.scid  }
0x8b: {  	s0 =	sand.u32 $0x1, s1  }
0x8c: {  	s17 =	sshll.u32 s0, $0xA;
	s2 =	sadd.s32 s3, s2  }
0x8d: {  	s2 =	sadd.s32 s2, s17  }
0x8e: {  	[smem:$0x3FC6] =	sst s2  }
0x8f: {  	_ = 	snop  }
0x90: {  	s2 =	sld [smem:$0x3FD0];
	(tm) =	ssettm $0x1  }
0x91: {  	s18 =	sld [smem:$0x3FFB];
	_ =	sdelay $0x3  }
0x92: {  	_ =	strace s18  }
0x93: {  	s3 =	sld [smem:$0x3FFC];
	_ =	sdelay $0x3  }
0x94: {  	_ =	strace s3  }
0x95: {  	s3 =	sld [smem:$0x3FFD];
	_ =	sdelay $0x3  }
0x96: {  	_ =	strace s3  }
0x97: {  	_ =	strace $0x8FFFFFFF  }
0x98: {  	s19 =	sld [smem:$0x3FDB];
	_ =	sdelay $0x1  }
0x99: {  	s4 =	simm.s32 $_scs_section_size  }
0x9a: {  	s5 =	simm.s32 $_size__tile_overlayer_lowered;
	s6 =	simm.s32 $_tile_overlayer_lowered  }
0x9b: {  	s22 =	simm.s32 $0x1BFF;
	s21 =	sshll.u32 s6, $0x1;
	s3 =	sadd.s32 s4, s19  }
0x9c: {  	s7 =	simm.s32 $0x0;
	s20 =	sshll.u32 s5, $0x1;
	s5 =	sadd.s32 s21, s3  }
0x9d: {  	[timem:s7], [sflag:s22] =	dma.local [hbm:s5], s20  }
0x9e: {  	_ =	swait.ge [sflag:s22], s20  }
0x9f: {  	s4 =	ssub.s32 $0x0, s20;
	[sflag:s22] =	ssyncset.done $0x0  }
0xa0: {  	[sflag:s22] =	ssyncadd.s32 s4;
	_ =	sdelay $0x1  }
0xa1: {  	s23 =	simm.s32 $0x1B8B  }
0xa2: {  	_ =	swait.ge [sflag:s23], $0x1  }
0xa3: {  	[sflag:s23] =	ssyncset.done $0x0  }
0xa4: {  	s25 =	simm.s32 $0x1B8E;
	s24 =	sld [smem:$0x3FFE];
	[sflag:s23] =	ssyncadd.s32 $0xFFFFFFFF  }
0xa5: {  	s26 =	simm.s32 $execute0_lowered;
	[smem:$0x3FD2] =	sst s25  }
0xa6: {  	s5 =	sshll.u32 s26, $0x1;
	_ =	strace $0x80000046;
	[dreg:$0x1] =	wrdreg $0xFFFFFFFF  }
0xa7: {  	s28 =	simm.s32 $_size_execute0_lowered;
	s3 =	sadd.s32 s3, s5;
	[dreg:$0x0] =	wrdreg $0x0  }
0xa8: {  	s5 =	sshll.u32 s28, $0x1;
	[dreg:$0x2] =	wrdreg s3  }
0xa9: {  	[dreg:$0x3] =	wrdreg s5  }
0xaa: {  	[dreg:$0x4] =	wrdreg $0xC0  }
0xab: {  	_ =	task [dreg:s7], $0x5FFFF  }
0xac: {  	[dreg:$0x1] =	wrdreg $0xFFFFFFFF  }
0xad: {  	[dreg:$0x0] =	wrdreg $0x60  }
0xae: {  	[dreg:$0x2] =	wrdreg s24  }
0xaf: {  	[dreg:$0x3] =	wrdreg s2  }
0xb0: {  	[dreg:$0x4] =	wrdreg $0x9  }
0xb1: {  	_ =	task.clear_ibuf [dreg:s7], $0x5FFFF;
	_ =	strace $0x90000046  }
0xb2: {  	s29 =	simm.s32 $0x9;
	_ =	strace $0x80000048  }
0xb3: {  	_ =	swait.ge [sflag:s29], $0x1  }
0xb4: {  	[sflag:s29] =	ssyncadd.s32 $0xFFFFFFFF  }
0xb5: {  	_ =	strace $0x90000048  }
0xb6: {  	_ =	sfence  }
0xb7: {  	s30 =	sld [smem:$0x0];
	_ =	sdelay $0x2  }
0xb8: {  	s31 =	sshll.u32 s1, $0xD;
	s1 =	sshrl.u32 s1, $0x2  }
0xb9: {  	s3 =	sand.u32 $0x4000, s31;
	s1 =	sadd.s32 s1, s30  }
0xba: {  	s0 =	sor.u32 s3, s0;
	s1 =	sshll.u32 s1, $0x11  }
0xbb: {  	s0 =	sor.u32 s1, s0  }
0xbc: {  	s0 =	sadd.s32 $0x8F2B, s0  }
0xbd: {  	[sflag:s0] =	ssyncadd.remote.s32 $0x1  }
0xbe: {  	_ =	sfence.sel $0xFFFF  }
0xbf: {  	[dreg:$0x0] =	wrdreg $0xFFFFFFFF;
	(pc) =	sbr.abs _section_cstart, $3  }
0xc0: {  	[dreg:$0x1] =	wrdreg $0xFFFFFFFF  }
0xc1: {  	_ =	task.clear_ibuf [dreg:s7], $0x2FFFF;
	_ =	strace $0x9FFFFFFF  }
0xc2: {  	(tm) =	ssettm $0x7FFFFFFF  }
0xc3: {  	_ =	shalt  }
tec
execute0_lowered:
.L_overlay_start_1:
0x0: {  	(tag) =	ssettag $0x1  }
0x1: {  	s0 =	srdreg.scid  }
0x2: {  	s1 =	rddreg [dreg:$0x0];
	s2 =	stileid.u32  }
0x3: {  	s4 =	rddreg [dreg:$0x1];
	s6 =	simm.s32 $0x0;
	s11 =	simm.s32 $0x80  }
0x4: {  	s13 =	simm.s32 $0x48;
	s28 =	simm.s32 $0x2;
	s29 =	simm.s32 $0xCE40  }
0x5: {  	s30 =	simm.s32 $0x3A0;
	s31 =	simm.s32 $0xEE40;
	s14 =	simm.s32 $0x468  }
0x6: {  	s15 =	simm.s32 $0x12040;
	s16 =	simm.s32 $0x4B0;
	s17 =	simm.s32 $0x13240  }
0x7: {  	s18 =	simm.s32 $0x530;
	s19 =	simm.s32 $0x15240;
	s20 =	simm.s32 $0x578  }
0x8: {  	s21 =	simm.s32 $0x16440;
	s12 =	simm.s32 $0x0;
	s0 =	sand.u32 $0x1, s0  }
0x9: {  	s3 =	sshll.u32 s2, $0x8;
	[smem:$0x7FF] =	sst s6;
	s7 =	smul.u32 $0x1900, s2  }
0xa: {  	s22 =	sadd.s32 $0x600, s1;
	s24 =	smul.u32 $0xC8000, s2;
	s5 =	sshll.u32 s0, $0x7  }
0xb: {  	_ =	strace $0x80000047;
	s23 =	ssub.s32 $0x2, s0;
	s8 =	smul.u32 $0xC80, s0  }
0xc: {  	s0 =	smul.u32 $0x64000, s0;
	s3 =	sor.u32 s5, s3;
	s9 =	sshrl.u32 s23, $0x1  }
0xd: {  	s26 =	sadd.s32 s7, s22;
	s4 =	sadd.s32 s24, s4;
	s24 =	simm.s32 $0x3  }
0xe: {  	s5 =	smul.u32 $0x19, s3;
	s3 =	sadd.s32 $0xF42A00, s1;
	s1 =	ssub.s32 s23, s9  }
0xf: {  	s7 =	sadd.s32 s8, s26;
	s0 =	sadd.s32 s0, s4;
	s9 =	simm.s32 $0x320  }
.Ltmp0:
0x10: {  	s23 =	simm.s32 $0x18440;
	s26 =	simm.s32 $0x4;
	(pc) =	sbr.rel .LBB2_1-.Ltmp0, $4  }
0x11: {  	s1 =	smax.u32 s1, $0x1;
	[dreg:$0x6] =	wrdreg s0;
	s0 =	simm.s32 $0x10040  }
0x12: {  	s10 =	sadd.s32 s22, s5;
	[dreg:$0x5] =	wrdreg s1;
	s1 =	simm.s32 $0x3E8  }
0x13: {  	s22 =	simm.s32 $0x5F8;
	[dreg:$0x3] =	wrdreg s10;
	s25 =	sadd.s32 $0x64, s10  }
0x14: {  	s5 =	simm.s32 $0x0;
	[dreg:$0x4] =	wrdreg s25;
	s25 =	simm.s32 $0x40  }
.LBB2_4:
0x15: {  	s2 =	simm.s32 $0x5  }
0x16: {  	_ =	swait.ge [sflag:s2], $0xC800  }
0x17: {  	[sflag:s2] =	ssyncset.done $0x0  }
0x18: {  	s4 =	simm.s32 $0x6;
	[sflag:s2] =	ssyncadd.s32 $0xFFFF3800  }
0x19: {  	_ =	swait.ge [sflag:s4], $0xC800  }
0x1a: {  	s5 =	rddreg [dreg:$0x7]  }
0x1b: {  	s10 =	rddreg [dreg:$0x5];
	s5 =	sadd.s32 $0x1, s5  }
0x1c: {  	p0 =	sne.s32 s5, s10  }
.Ltmp1:
0x1d: {  	_ = 	snop;
	(pc) =	sbr.rel @!p0 .LBB2_5-.Ltmp1, $3  }
0x1e: {  	_ =	sdelay $0x1  }
0x1f: {  	[sflag:s4] =	ssyncset.done $0x0  }
0x20: {  	[sflag:s4] =	ssyncadd.s32 $0xFFFF3800  }
.LBB2_1:
0x21: {  	[dreg:$0x7] =	wrdreg s5  }
0x22: {  	s2 =	simm.s32 $0x0;
	s4 =	rddreg [dreg:$0x3]  }
0x23: {  	[tilespmem:s2], [sflag:$0x1] =	stream.linear.gather [hbm4b:s4+s2], $0x320, $0x38;
	[tilespmem:$0x19640] =	vst v63  }
0x24: {  	s6 =	rddreg [dreg:$0x4];
	s8 =	simm.s32 $0x1  }
0x25: {  	[tilespmem:s9], [sflag:$0x2] =	stream.linear.gather [hbm4b:s6+s2], $0x320, $0x38;
	[tilespmem:$0x19640] =	vst v63  }
0x26: {  	_ =	swait.ge [sflag:s8], $0x320  }
0x27: {  	[sflag:s8] =	ssyncset.done $0x0  }
0x28: {  	s10 =	simm.s32 $0x640;
	[sflag:s8] =	ssyncadd.s32 $0xFFFFFCE0  }
0x29: {  	[tilespmem:s10], [sflag:$0x3] =	stream.indirect.gather [hbm4b:s3+s11], $0x40, s2, s11, $0xb8;
	[tilespmem:$0x19640] =	vst v63  }
0x2a: {  	s4 =	simm.s32 $0x2640  }
0x2b: {  	[tilespmem:s4], [sflag:$0x3] =	stream.indirect.gather [hbm4b:s3+s13], $0x40, s11, s13, $0xb8;
	[tilespmem:$0x19640] =	vst v63  }
0x2c: {  	s5 =	simm.s32 $0xC8;
	s6 =	simm.s32 $0x3840  }
0x2d: {  	[tilespmem:s6], [sflag:$0x3] =	stream.indirect.gather [hbm4b:s3+s11], $0x40, s5, s11, $0xb8;
	[tilespmem:$0x19640] =	vst v63  }
0x2e: {  	s8 =	simm.s32 $0x148;
	s10 =	simm.s32 $0x5840  }
0x2f: {  	[tilespmem:s10], [sflag:$0x3] =	stream.indirect.gather [hbm4b:s3+s13], $0x40, s8, s13, $0xb8;
	[tilespmem:$0x19640] =	vst v63  }
0x30: {  	s5 =	simm.s32 $0x190;
	s6 =	simm.s32 $0x6A40  }
0x31: {  	[tilespmem:s6], [sflag:$0x3] =	stream.indirect.gather [hbm4b:s3+s11], $0x40, s5, s11, $0xb8;
	[tilespmem:$0x19640] =	vst v63  }
0x32: {  	s8 =	simm.s32 $0x210;
	s10 =	simm.s32 $0x8A40  }
0x33: {  	[tilespmem:s10], [sflag:$0x3] =	stream.indirect.gather [hbm4b:s3+s13], $0x40, s8, s13, $0xb8;
	[tilespmem:$0x19640] =	vst v63  }
0x34: {  	s5 =	simm.s32 $0x258;
	s6 =	simm.s32 $0x9C40  }
0x35: {  	[tilespmem:s6], [sflag:$0x3] =	stream.indirect.gather [hbm4b:s3+s11], $0x40, s5, s11, $0xb8;
	[tilespmem:$0x19640] =	vst v63  }
0x36: {  	s8 =	simm.s32 $0x2D8;
	s10 =	simm.s32 $0xBC40  }
0x37: {  	[tilespmem:s10], [sflag:$0x3] =	stream.indirect.gather [hbm4b:s3+s13], $0x40, s8, s13, $0xb8;
	[tilespmem:$0x19640] =	vst v63  }
0x38: {  	s8 =	rddreg [dreg:$0x6];
	s10 =	simm.s32 $0x0  }
.LBB2_2:
0x39: {  	_ =	swait.ge [sflag:s28], $0x320  }
0x3a: {  	p0 =	seq.s32 s10, $0x0;
	[sflag:s28] =	ssyncset.done $0x0  }
0x3b: {  	s5 =	simm.s32 @!p0 $0x6;
	[sflag:s28] =	ssyncadd.s32 $0xFFFFFCE0  }
0x3c: {  	_ =	swait.ge @!p0 [sflag:s5], $0xC800  }
0x3d: {  	[sflag:s5] =	ssyncset.done @!p0 $0x0  }
0x3e: {  	[sflag:s5] =	ssyncadd.s32 @!p0 $0xFFFF3800  }
0x3f: {  	[tilespmem:s29], [sflag:$0x4] =	stream.indirect.gather [hbm4b:s3+s11], $0x40, s9, s11, $0xb8;
	[tilespmem:$0x19640] =	vst v63  }
0x40: {  	_ = 	snop  }
0x41: {  	[tilespmem:s31], [sflag:$0x4] =	stream.indirect.gather [hbm4b:s3+s13], $0x40, s30, s13, $0xb8;
	[tilespmem:$0x19640] =	vst v63  }
0x42: {  	_ = 	snop  }
0x43: {  	[tilespmem:s0], [sflag:$0x4] =	stream.indirect.gather [hbm4b:s3+s11], $0x40, s1, s11, $0xb8;
	[tilespmem:$0x19640] =	vst v63  }
0x44: {  	_ = 	snop  }
0x45: {  	[tilespmem:s15], [sflag:$0x4] =	stream.indirect.gather [hbm4b:s3+s13], $0x40, s14, s13, $0xb8;
	[tilespmem:$0x19640] =	vst v63  }
0x46: {  	_ = 	snop  }
0x47: {  	[tilespmem:s17], [sflag:$0x4] =	stream.indirect.gather [hbm4b:s3+s11], $0x40, s16, s11, $0xb8;
	[tilespmem:$0x19640] =	vst v63  }
0x48: {  	_ = 	snop  }
0x49: {  	[tilespmem:s19], [sflag:$0x4] =	stream.indirect.gather [hbm4b:s3+s13], $0x40, s18, s13, $0xb8;
	[tilespmem:$0x19640] =	vst v63  }
0x4a: {  	_ = 	snop  }
0x4b: {  	[tilespmem:s21], [sflag:$0x4] =	stream.indirect.gather [hbm4b:s3+s11], $0x40, s20, s11, $0xb8;
	[tilespmem:$0x19640] =	vst v63  }
0x4c: {  	_ = 	snop  }
0x4d: {  	[tilespmem:s23], [sflag:$0x4] =	stream.indirect.gather [hbm4b:s3+s13], $0x40, s22, s13, $0xb8;
	[tilespmem:$0x19640] =	vst v63  }
0x4e: {  	_ =	swait.ge [sflag:s24], $0x2000  }
0x4f: {  	[sflag:s24] =	ssyncset.done $0x0  }
0x50: {  	[sflag:s24] =	ssyncadd.s32 $0xFFFFE000  }
0x51: {  	_ =	swait.ge [sflag:s24], $0x1200  }
0x52: {  	[sflag:s24] =	ssyncset.done $0x0  }
0x53: {  	[sflag:s24] =	ssyncadd.s32 $0xFFFFEE00  }
0x54: {  	_ =	swait.ge [sflag:s24], $0x2000  }
0x55: {  	[sflag:s24] =	ssyncset.done $0x0  }
0x56: {  	[sflag:s24] =	ssyncadd.s32 $0xFFFFE000  }
0x57: {  	_ =	swait.ge [sflag:s24], $0x1200  }
0x58: {  	[sflag:s24] =	ssyncset.done $0x0  }
0x59: {  	[sflag:s24] =	ssyncadd.s32 $0xFFFFEE00  }
0x5a: {  	_ =	swait.ge [sflag:s24], $0x2000  }
0x5b: {  	[sflag:s24] =	ssyncset.done $0x0  }
0x5c: {  	[sflag:s24] =	ssyncadd.s32 $0xFFFFE000  }
0x5d: {  	_ =	swait.ge [sflag:s24], $0x1200  }
0x5e: {  	[sflag:s24] =	ssyncset.done $0x0  }
0x5f: {  	[sflag:s24] =	ssyncadd.s32 $0xFFFFEE00  }
0x60: {  	_ =	swait.ge [sflag:s24], $0x2000  }
0x61: {  	[sflag:s24] =	ssyncset.done $0x0  }
0x62: {  	[sflag:s24] =	ssyncadd.s32 $0xFFFFE000  }
0x63: {  	_ =	swait.ge [sflag:s24], $0x1200  }
0x64: {  	p0 =	seq.s32 s10, $0xBB8;
	[sflag:s24] =	ssyncset.done $0x0  }
0x65: {  	s2 =	simm.s32 $0x640;
	s5 =	sadd.s32 @!p0 s10, s7;
	[sflag:s24] =	ssyncadd.s32 $0xFFFFEE00  }
0x66: {  	[hbm4b:s8+s25] =	stream.strided.scatter [tilespmem:s2], [sflag:$0x5], $0xC800, s11, s25, $0x38;
	[tilespmem:$0x19640] =	vst v63  }
0x67: {  	s6 =	simm.s32 @!p0 $0x0;
	s5 =	sadd.s32 @!p0 $0xC8, s5  }
0x68: {  	[tilespmem:s6], [sflag:$0x1] =	stream.linear.gather @!p0 [hbm4b:s5+s6], $0x320, $0x38;
	[tilespmem:$0x19640] =	vst v63  }
0x69: {  	s5 =	simm.s32 @!p0 $0x1  }
0x6a: {  	_ =	swait.ge @!p0 [sflag:s5], $0x320  }
0x6b: {  	[sflag:s5] =	ssyncset.done @!p0 $0x0  }
0x6c: {  	[sflag:s5] =	ssyncadd.s32 @!p0 $0xFFFFFCE0;
	s5 =	simm.s32 @!p0 $0x5  }
0x6d: {  	_ =	swait.ge @!p0 [sflag:s5], $0xC800  }
0x6e: {  	[sflag:s5] =	ssyncset.done @!p0 $0x0  }
0x6f: {  	s4 =	simm.s32 @!p0 $0x640;
	[sflag:s5] =	ssyncadd.s32 @!p0 $0xFFFF3800;
	s5 =	simm.s32 @!p0 $0x80  }
0x70: {  	[tilespmem:s4], [sflag:$0x3] =	stream.indirect.gather @!p0 [hbm4b:s3+s5], $0x40, s6, s5, $0xb8;
	[tilespmem:$0x19640] =	vst v63  }
0x71: {  	s4 =	simm.s32 @!p0 $0x48;
	s6 =	simm.s32 @!p0 $0x2640  }
0x72: {  	[tilespmem:s6], [sflag:$0x3] =	stream.indirect.gather @!p0 [hbm4b:s3+s4], $0x40, s5, s4, $0xb8;
	[tilespmem:$0x19640] =	vst v63  }
0x73: {  	s2 =	simm.s32 @!p0 $0x3840;
	s6 =	simm.s32 @!p0 $0xC8  }
0x74: {  	[tilespmem:s2], [sflag:$0x3] =	stream.indirect.gather @!p0 [hbm4b:s3+s5], $0x40, s6, s5, $0xb8;
	[tilespmem:$0x19640] =	vst v63  }
0x75: {  	s2 =	simm.s32 @!p0 $0x148;
	s6 =	simm.s32 @!p0 $0x5840  }
0x76: {  	[tilespmem:s6], [sflag:$0x3] =	stream.indirect.gather @!p0 [hbm4b:s3+s4], $0x40, s2, s4, $0xb8;
	[tilespmem:$0x19640] =	vst v63  }
0x77: {  	s2 =	simm.s32 @!p0 $0x190;
	s6 =	simm.s32 @!p0 $0x6A40  }
0x78: {  	[tilespmem:s6], [sflag:$0x3] =	stream.indirect.gather @!p0 [hbm4b:s3+s5], $0x40, s2, s5, $0xb8;
	[tilespmem:$0x19640] =	vst v63  }
0x79: {  	s2 =	simm.s32 @!p0 $0x210;
	s6 =	simm.s32 @!p0 $0x8A40  }
0x7a: {  	[tilespmem:s6], [sflag:$0x3] =	stream.indirect.gather @!p0 [hbm4b:s3+s4], $0x40, s2, s4, $0xb8;
	[tilespmem:$0x19640] =	vst v63  }
0x7b: {  	s2 =	simm.s32 @!p0 $0x258;
	s6 =	simm.s32 @!p0 $0x9C40  }
0x7c: {  	[tilespmem:s6], [sflag:$0x3] =	stream.indirect.gather @!p0 [hbm4b:s3+s5], $0x40, s2, s5, $0xb8;
	[tilespmem:$0x19640] =	vst v63  }
0x7d: {  	s2 =	simm.s32 @!p0 $0x2D8;
	s5 =	simm.s32 @!p0 $0xBC40  }
0x7e: {  	[tilespmem:s5], [sflag:$0x3] =	stream.indirect.gather @!p0 [hbm4b:s3+s4], $0x40, s2, s4, $0xb8;
	[tilespmem:$0x19640] =	vst v63  }
0x7f: {  	_ =	swait.ge [sflag:s26], $0x2000  }
0x80: {  	[sflag:s26] =	ssyncset.done $0x0  }
0x81: {  	[sflag:s26] =	ssyncadd.s32 $0xFFFFE000  }
0x82: {  	_ =	swait.ge [sflag:s26], $0x1200  }
0x83: {  	[sflag:s26] =	ssyncset.done $0x0  }
0x84: {  	[sflag:s26] =	ssyncadd.s32 $0xFFFFEE00  }
0x85: {  	_ =	swait.ge [sflag:s26], $0x2000  }
0x86: {  	[sflag:s26] =	ssyncset.done $0x0  }
0x87: {  	[sflag:s26] =	ssyncadd.s32 $0xFFFFE000  }
0x88: {  	_ =	swait.ge [sflag:s26], $0x1200  }
0x89: {  	[sflag:s26] =	ssyncset.done $0x0  }
0x8a: {  	[sflag:s26] =	ssyncadd.s32 $0xFFFFEE00  }
0x8b: {  	_ =	swait.ge [sflag:s26], $0x2000  }
0x8c: {  	[sflag:s26] =	ssyncset.done $0x0  }
0x8d: {  	[sflag:s26] =	ssyncadd.s32 $0xFFFFE000  }
0x8e: {  	_ =	swait.ge [sflag:s26], $0x1200  }
0x8f: {  	[sflag:s26] =	ssyncset.done $0x0  }
0x90: {  	[sflag:s26] =	ssyncadd.s32 $0xFFFFEE00  }
0x91: {  	_ =	swait.ge [sflag:s26], $0x2000  }
0x92: {  	[sflag:s26] =	ssyncset.done $0x0  }
.Ltmp2:
0x93: {  	[sflag:s26] =	ssyncadd.s32 $0xFFFFE000;
	(pc) =	sbr.rel @p0 .LBB2_4-.Ltmp2, $4  }
0x94: {  	_ =	swait.ge [sflag:s26], $0x1200  }
0x95: {  	[sflag:s26] =	ssyncset.done $0x0  }
0x96: {  	s6 =	sadd.s32 $0x3200, s8;
	[sflag:s26] =	ssyncadd.s32 $0xFFFFEE00  }
0x97: {  	[hbm4b:s6+s25] =	stream.strided.scatter [tilespmem:s29], [sflag:$0x6], $0xC800, s11, s25, $0x38;
	[tilespmem:$0x19640] =	vst v63  }
.Ltmp3:
0x98: {  	(pc) =	sbr.rel .LBB2_2-.Ltmp3, $4  }
0x99: {  	_ = 	snop  }
0x9a: {  	s2 =	sadd.s32 s10, s7  }
0x9b: {  	s10 =	sadd.s32 $0xC8, s10;
	s8 =	sadd.s32 $0x6400, s8;
	s2 =	sadd.s32 $0x12C, s2  }
0x9c: {  	[tilespmem:s9], [sflag:$0x2] =	stream.linear.gather [hbm4b:s2+s12], $0x320, $0x38;
	[tilespmem:$0x19640] =	vst v63  }
.LBB2_5:
0x9d: {  	_ =	sfence.sel $0x180000  }
0x9e: {  	[bflag:$0x0] =	sbarrier.arrive $0xFFFF  }
0x9f: {  	_ =	strace $0x90000047  }
0xa0: {  	s0 =	stileid.u32;
	[bflag:$0x2] =	sbarrier.arrive $0xFFFF  }
0xa1: {  	p0 =	sne.s32 s0, $0x0;
	s0 =	rddreg [dreg:$0x2]  }
0xa2: {  	s0 =	sadd.s32 @!p0 $0x100000, s0  }
0xa3: {  	[sflag:s0] =	ssyncadd.tile.s32 @!p0 $0x1;
	_ =	shalt  }
.Lfunc_end2:
_tile_overlayer_lowered:
.L_overlay_start_2:
0xa4: {  	(tag) =	ssettag $0x2  }
0xa5: {  	s0 =	rddreg [dreg:$0x0];
	s2 =	stileid.u32  }
0xa6: {  	s1 =	rddreg [dreg:$0x1];
	p0 =	sne.s32 s2, $0x0  }
0xa7: {  	s3 =	rddreg [dreg:$0x2];
	[bflag:$0x3] =	sbarrier.arrive $0xFFFF;
	s2 =	simm.s32 @!p0 $0x1C07  }
0xa8: {  	[timem:s3], [sflag:s2] =	dma.local @!p0 [hbm:s0], s1  }
0xa9: {  	s0 =	simm.s32 @!p0 $0x7  }
0xaa: {  	_ =	swait.ge @!p0 [sflag:s0], s1  }
0xab: {  	s1 =	ssub.s32 @!p0 $0x0, s1;
	[sflag:s0] =	ssyncset.done @!p0 $0x0  }
0xac: {  	[sflag:s0] =	ssyncadd.s32 @!p0 s1  }
0xad: {  	[bflag:$0x3] =	sbarrier.arrive $0xFFFF  }
0xae: {  	_ =	shalt  }

</sc_bundles>
